<compile_context>
chip_gen: v7x
topology: tpu7x:2x2x1
jax: 0.10.2.dev20260603
libtpu: 0.0.44.dev20260713+nightly
codegen_flags: <defaults>
</compile_context>

<pallas_src>
import functools

import jax
import jax.numpy as jnp
from jax import lax
from jax.experimental import pallas as pl
from jax.experimental.pallas import tpu as pltpu
from jax.experimental.pallas import tpu_sc as plsc

N = 10000
E = 320000
D = 128

NC = 2
NS = 16
NW = NC * NS
C = 100
CPT = E // (NW * C)
NQ = 2
QC = CPT // NQ
ROWS_PER_TILE = N // NS


def _sc_kernel(feat_hbm, ei_hbm, agg_out, deg_out,
               src_v, dst_v, rows0_v, rows1_v, ones_v, agg_sp, deg_sp,
               sem0, sem1, sem_s0, sem_s1, sem_d0, sem_d1):
    cid = lax.axis_index("c")
    sid = lax.axis_index("s")
    w = cid * NS + sid

    def fill_rows(i, _):
        rows0_v[i // 8, pl.ds((i % 8) * 16, 16)] = jnp.zeros((16,), jnp.float32)
        return _
    lax.fori_loop(0, C * 8, fill_rows, None)

    def fill_ones0(i, _):
        ones_v[i, pl.ds(0, 16)] = jnp.zeros((16,), jnp.float32)
        return _
    lax.fori_loop(0, C, fill_ones0, None)

    base = sid * ROWS_PER_TILE
    for k in range(ROWS_PER_TILE // C):
        pltpu.sync_copy(rows0_v, agg_sp.at[pl.ds(base + k * C, C), :])
        pltpu.sync_copy(ones_v, deg_sp.at[pl.ds(base + k * C, C), :])
    _rem = ROWS_PER_TILE % C
    if _rem:
        _zb = base + (ROWS_PER_TILE // C) * C
        pltpu.sync_copy(rows0_v.at[pl.ds(0, _rem), :],
                        agg_sp.at[pl.ds(_zb, _rem), :])
        pltpu.sync_copy(ones_v.at[pl.ds(0, _rem), :],
                        deg_sp.at[pl.ds(_zb, _rem), :])

    def fill_ones1(i, _):
        ones_v[i, pl.ds(0, 16)] = jnp.ones((16,), jnp.float32)
        return _
    lax.fori_loop(0, C, fill_ones1, None)
    plsc.subcore_barrier()

    bufs = ((rows0_v, sem0, sem_s0, sem_d0),
            (rows1_v, sem1, sem_s1, sem_d1))
    for q in range(NQ):
        pltpu.sync_copy(ei_hbm.at[w, pl.ds(q * QC, QC), :], src_v)
        pltpu.sync_copy(ei_hbm.at[NW + w, pl.ds(q * QC, QC), :], dst_v)
        pltpu.async_copy(feat_hbm.at[src_v.at[0]], rows0_v, sem0)
        pltpu.async_copy(feat_hbm.at[src_v.at[1]], rows1_v, sem1)

        def body(i, _):
            for b, (rv, gsem, ssem, dsem) in enumerate(bufs):
                j = 2 * i + b
                pltpu.make_async_copy(feat_hbm.at[src_v.at[j]], rv, gsem).wait()
                pltpu.async_copy(rv, agg_sp.at[dst_v.at[j]], ssem, add=True)
                pltpu.async_copy(ones_v, deg_sp.at[dst_v.at[j]], dsem,
                                 add=True)

                @pl.when(j >= 2)
                def _wait_deg():
                    pltpu.make_async_copy(
                        ones_v, deg_sp.at[dst_v.at[j - 2]], dsem).wait()

                @pl.when(j + 2 < QC)
                def _prefetch():
                    pltpu.make_async_copy(
                        rv, agg_sp.at[dst_v.at[j]], ssem).wait()
                    pltpu.async_copy(feat_hbm.at[src_v.at[j + 2]], rv, gsem)
            return _
        lax.fori_loop(0, QC // 2, body, None)

        for b, (rv, gsem, ssem, dsem) in enumerate(bufs):
            j = QC - 2 + b
            pltpu.make_async_copy(
                rv, agg_sp.at[dst_v.at[j]], ssem).wait()
            pltpu.make_async_copy(
                ones_v, deg_sp.at[dst_v.at[j]], dsem).wait()

    plsc.subcore_barrier()

    cb = sid * 624
    pltpu.sync_copy(agg_sp.at[pl.ds(cb, 624), :],
                    agg_out.at[cid, pl.ds(cb, 624), :])
    pltpu.sync_copy(deg_sp.at[pl.ds(cb, 624), :],
                    deg_out.at[cid, pl.ds(cb, 624), :])

    @pl.when(sid == NS - 1)
    def _tail():
        tb = 624 * NS
        pltpu.sync_copy(agg_sp.at[pl.ds(tb, N - tb), :],
                        agg_out.at[cid, pl.ds(tb, N - tb), :])
        pltpu.sync_copy(deg_sp.at[pl.ds(tb, N - tb), :],
                        deg_out.at[cid, pl.ds(tb, N - tb), :])


def _sc_aggregate(feat, ei3):
    mesh = plsc.VectorSubcoreMesh(core_axis_name="c", subcore_axis_name="s",
                                  num_cores=NC, num_subcores=NS)
    return pl.kernel(
        _sc_kernel,
        out_type=[jax.ShapeDtypeStruct((NC, N, D), jnp.float32),
                  jax.ShapeDtypeStruct((NC, N, 16), jnp.float32)],
        mesh=mesh,
        scratch_types=[
            pltpu.VMEM((QC, C), jnp.int32),
            pltpu.VMEM((QC, C), jnp.int32),
            pltpu.VMEM((C, D), jnp.float32),
            pltpu.VMEM((C, D), jnp.float32),
            pltpu.VMEM((C, 16), jnp.float32),
            pltpu.VMEM_SHARED((N, D), jnp.float32),
            pltpu.VMEM_SHARED((N, 16), jnp.float32),
            pltpu.SemaphoreType.DMA,
            pltpu.SemaphoreType.DMA,
            pltpu.SemaphoreType.DMA,
            pltpu.SemaphoreType.DMA,
            pltpu.SemaphoreType.DMA,
            pltpu.SemaphoreType.DMA,
        ],
        compiler_params=pltpu.CompilerParams(use_tc_tiling_on_sc=False),
        name="sage_sc_aggregate",
    )(feat, ei3)


BR = 1000


def _tc_body(f_ref, w_ref, p_ref, d_ref, o_ref):
    deg = d_ref[0, :, 0:1] + d_ref[1, :, 0:1]
    agg = p_ref[0] + p_ref[1]
    neigh = agg / jnp.maximum(deg, 1.0)
    dn = (((1,), (1,)), ((), ()))
    o_ref[:] = (
        lax.dot_general(f_ref[:], w_ref[:, :D], dn,
                        preferred_element_type=jnp.float32)
        + lax.dot_general(neigh, w_ref[:, D:], dn,
                          preferred_element_type=jnp.float32))


def _tc_combine(feat, w, parts, degp):
    grid = N // BR
    return pl.pallas_call(
        _tc_body,
        grid=(grid,),
        in_specs=[
            pl.BlockSpec((BR, D), lambda i: (i, 0)),
            pl.BlockSpec((D, 2 * D), lambda i: (0, 0)),
            pl.BlockSpec((NC, BR, D), lambda i: (0, i, 0)),
            pl.BlockSpec((NC, BR, 16), lambda i: (0, i, 0)),
        ],
        out_specs=pl.BlockSpec((BR, D), lambda i: (i, 0)),
        out_shape=jax.ShapeDtypeStruct((N, D), jnp.float32),
        name="sage_tc_combine",
    )(feat, w, parts, degp)


def kernel(feat, edge_index, W):
    ei3 = edge_index.astype(jnp.int32).reshape(2 * NW, CPT, C)
    parts, degp = _sc_aggregate(feat, ei3)
    return _tc_combine(feat, W, parts, degp)

# --- scband reference (transcript-rebuilt; emitter-appended) ---
"""Pipeline reference for scband-pcapass-conv-81329500717452 (READ-ONLY COPY).

The authoritative reference and input builder live on the scoring server;
editing this copy changes nothing except your own understanding.
"""

import jax, jax.numpy as jnp
import numpy as np

N = 10000
E = 320000
D_IN = 128
D_OUT = 128


def setup_inputs(seed: int = 0) -> dict:
    key = jax.random.key(seed)
    k1, k2, k3 = jax.random.split(key, 3)
    feat = jax.random.normal(k1, (N, D_IN), dtype=jnp.float32)
    edge_index = jax.random.randint(k2, (2, E), 0, N)
    # fc_self_neigh weight: Linear(2*in_feats -> out_feats, bias=False)
    W = jax.random.normal(k3, (D_OUT, 2 * D_IN), dtype=jnp.float32) * (1.0 / np.sqrt(2 * D_IN))
    return {"feat": feat, "edge_index": edge_index, "W": W}


def reference(feat, edge_index, W):
    # OneDirSAGEConv with aggregator_type='mean', feat_drop=0.0:
    #   h_self    = feat
    #   neigh_rst = mean over in-neighbors of feat[src]
    src = edge_index[0]
    dst = edge_index[1]
    msg = jnp.take(feat, src, axis=0)                      # gather  [E, D_IN]
    agg = jax.ops.segment_sum(msg, dst, num_segments=N)    # scatter-add [N, D_IN]
    deg = jax.ops.segment_sum(jnp.ones((E,), dtype=feat.dtype), dst, num_segments=N)
    neigh = agg / jnp.clip(deg, 1.0)[:, None]              # mean aggregation
    h = jnp.concatenate([feat, neigh], axis=1)             # [N, 2*D_IN]
    rst = h @ W.T                                          # fc_self_neigh, bias=False
    # activation=None, norm=None (defaults)
    return rst

if __name__ == "__main__":
    import jax
    _d = setup_inputs()
    print(jax.jit(kernel)(*tuple(_d.values())))

</pallas_src>

<mosaic_0001>
#map = affine_map<(d0, d1) -> (0, 0)>
#map1 = affine_map<(d0, d1) -> (0, 0, 0)>
module attributes {stable_mosaic.version = 14 : i64} {
  func.func @sage_sc_aggregate(%arg0: i32, %arg1: i32, %arg2: memref<10000x128xf32, #tpu.memory_space<hbm>>, %arg3: memref<64x100x100xi32, #tpu.memory_space<hbm>>, %arg4: memref<2x10000x128xf32, #tpu.memory_space<hbm>>, %arg5: memref<2x10000x16xf32, #tpu.memory_space<hbm>>, %arg6: memref<50x100xi32, #tpu.memory_space<vmem>>, %arg7: memref<50x100xi32, #tpu.memory_space<vmem>>, %arg8: memref<100x128xf32, #tpu.memory_space<vmem>>, %arg9: memref<100x128xf32, #tpu.memory_space<vmem>>, %arg10: memref<100x16xf32, #tpu.memory_space<vmem>>, %arg11: memref<10000x128xf32, #tpu.memory_space<vmem_shared>>, %arg12: memref<10000x16xf32, #tpu.memory_space<vmem_shared>>, %arg13: memref<!tpu.dma_semaphore, #tpu.memory_space<semaphore_mem>>, %arg14: memref<!tpu.dma_semaphore, #tpu.memory_space<semaphore_mem>>, %arg15: memref<!tpu.dma_semaphore, #tpu.memory_space<semaphore_mem>>, %arg16: memref<!tpu.dma_semaphore, #tpu.memory_space<semaphore_mem>>, %arg17: memref<!tpu.dma_semaphore, #tpu.memory_space<semaphore_mem>>, %arg18: memref<!tpu.dma_semaphore, #tpu.memory_space<semaphore_mem>>) attributes {dimension_semantics = [#tpu.dimension_semantics<core_parallel>, #tpu.dimension_semantics<subcore_parallel>], iteration_bounds = array<i64: 2, 16>, scalar_prefetch = 0 : i64, scratch_operands = 13 : i64, tpu.core_type = #tpu.core_type<sc_vector_subcore>, window_params = [{transform_indices = #map}, {transform_indices = #map1}, {transform_indices = #map1}, {transform_indices = #map1}]} {
    %mul3A = arith.constant 16 : i32
    %mul3A_0 = arith.muli %arg0, %mul3A : i32
    %add3A = arith.addi %mul3A_0, %arg1 : i32
    %scan3A = arith.constant 0 : i32
    %scan3A_1 = arith.constant 800 : i32
    %scan3A_2 = arith.addi %scan3A, %scan3A_1 : i32
    %scan3A_3 = arith.constant 1 : i32
    scf.for %scan3A_144 = %scan3A to %scan3A_2 step %scan3A_3  : i32 {
      %broadcast_in_dim3A = arith.constant 0.000000e+00 : f32
      %broadcast_in_dim3A_145 = vector.broadcast %broadcast_in_dim3A : f32 to vector<16xf32>
      %jit3A = arith.constant 8 : i32
      %div3A = arith.divsi %scan3A_144, %jit3A : i32
      %sign3A = arith.constant 0 : i32
      %sign3A_146 = arith.cmpi sgt, %scan3A_144, %sign3A : i32
      %sign3A_147 = arith.extui %sign3A_146 : i1 to i32
      %sign3A_148 = arith.constant 0 : i32
      %sign3A_149 = arith.cmpi slt, %scan3A_144, %sign3A_148 : i32
      %sign3A_150 = arith.extui %sign3A_149 : i1 to i32
      %sign3A_151 = arith.subi %sign3A_147, %sign3A_150 : i32
      %sign3A_152 = arith.constant 0 : i32
      %sign3A_153 = arith.cmpi sgt, %jit3A, %sign3A_152 : i32
      %sign3A_154 = arith.extui %sign3A_153 : i1 to i32
      %sign3A_155 = arith.constant 0 : i32
      %sign3A_156 = arith.cmpi slt, %jit3A, %sign3A_155 : i32
      %sign3A_157 = arith.extui %sign3A_156 : i1 to i32
      %sign3A_158 = arith.subi %sign3A_154, %sign3A_157 : i32
      %ne3A = arith.cmpi ne, %sign3A_151, %sign3A_158 : i32
      %rem3A = arith.remsi %scan3A_144, %jit3A : i32
      %ne3A_159 = arith.constant 0 : i32
      %ne3A_160 = arith.cmpi ne, %rem3A, %ne3A_159 : i32
      %and3A = arith.andi %ne3A, %ne3A_160 : i1
      %sub3A = arith.constant 1 : i32
      %sub3A_161 = arith.subi %div3A, %sub3A : i32
      %select_n3A = arith.select %and3A, %sub3A_161, %div3A : i32
      %jit3A_162 = arith.constant 8 : i32
      %eq3A_163 = arith.constant 0 : i32
      %eq3A_164 = arith.cmpi eq, %jit3A_162, %eq3A_163 : i32
      %jit3A_165 = arith.constant 1 : i32
      %select_n3A_166 = arith.select %eq3A_164, %jit3A_165, %jit3A_162 : i32
      %rem3A_167 = arith.remsi %scan3A_144, %select_n3A_166 : i32
      %ne3A_168 = arith.constant 0 : i32
      %ne3A_169 = arith.cmpi ne, %rem3A_167, %ne3A_168 : i32
      %lt3A = arith.constant 0 : i32
      %lt3A_170 = arith.cmpi slt, %rem3A_167, %lt3A : i32
      %lt3A_171 = arith.constant 0 : i32
      %lt3A_172 = arith.cmpi slt, %select_n3A_166, %lt3A_171 : i32
      %ne3A_173 = arith.xori %lt3A_170, %lt3A_172 : i1
      %and3A_174 = arith.andi %ne3A_173, %ne3A_169 : i1
      %add3A_175 = arith.addi %rem3A_167, %select_n3A_166 : i32
      %select_n3A_176 = arith.select %and3A_174, %add3A_175, %rem3A_167 : i32
      %mul3A_177 = arith.constant 16 : i32
      %mul3A_178 = arith.muli %select_n3A_176, %mul3A_177 : i32
      %swap3A = arith.index_cast %select_n3A : i32 to index
      %swap3A_179 = arith.index_cast %mul3A_178 : i32 to index
      %swap3A_180 = tpu.vector_load %arg8[%swap3A, %swap3A_179] {strides = array<i32>} : memref<100x128xf32, #tpu.memory_space<vmem>>, vector<1x16xf32>,
      %swap3A_181 = vector.shape_cast %swap3A_180 : vector<1x16xf32> to vector<16xf32>
      %swap3A_182 = vector.shape_cast %broadcast_in_dim3A_145 : vector<16xf32> to vector<1x16xf32>
      tpu.vector_store %arg8[%swap3A, %swap3A_179], %swap3A_182 {strides = array<i32>} : memref<100x128xf32, #tpu.memory_space<vmem>>, vector<1x16xf32>,
    }
    %scan3A_4 = arith.constant 800 : i32
    %scan3A_5 = arith.constant 0 : i32
    %scan3A_6 = arith.constant 100 : i32
    %scan3A_7 = arith.addi %scan3A_5, %scan3A_6 : i32
    %scan3A_8 = arith.constant 1 : i32
    scf.for %scan3A_144 = %scan3A_5 to %scan3A_7 step %scan3A_8  : i32 {
      %broadcast_in_dim3A = arith.constant 0.000000e+00 : f32
      %broadcast_in_dim3A_145 = vector.broadcast %broadcast_in_dim3A : f32 to vector<16xf32>
      %swap3A = arith.index_cast %scan3A_144 : i32 to index
      %swap3A_146 = arith.constant 0 : index
      %swap3A_147 = tpu.vector_load %arg10[%swap3A, %swap3A_146] {strides = array<i32>} : memref<100x16xf32, #tpu.memory_space<vmem>>, vector<1x16xf32>,
      %swap3A_148 = vector.shape_cast %swap3A_147 : vector<1x16xf32> to vector<16xf32>
      %swap3A_149 = vector.shape_cast %broadcast_in_dim3A_145 : vector<16xf32> to vector<1x16xf32>
      tpu.vector_store %arg10[%swap3A, %swap3A_146], %swap3A_149 {strides = array<i32>} : memref<100x16xf32, #tpu.memory_space<vmem>>, vector<1x16xf32>,
    }
    %scan3A_9 = arith.constant 100 : i32
    %mul3A_10 = arith.constant 625 : i32
    %mul3A_11 = arith.muli %arg1, %mul3A_10 : i32
    %add3A_12 = arith.constant 0 : i32
    %add3A_13 = arith.addi %mul3A_11, %add3A_12 : i32
    "tpu.region"() ({
      %run_scoped3A = tpu.sem_alloc : memref<!tpu.dma_semaphore, #tpu.memory_space<semaphore_mem>>
      %dma_start3A_144 = arith.constant 0 : i32
      %dma_start3A_145 = tpu.memref_slice %arg11[%add3A_13, %dma_start3A_144] : memref<10000x128xf32, #tpu.memory_space<vmem_shared>> -> memref<100x128xf32, #tpu.memory_space<vmem_shared>>
      %dma_start3A_146 = arith.constant 0 : i32
      %dma_start3A_147 = tpu.memref_slice %arg11[%add3A_13, %dma_start3A_146] : memref<10000x128xf32, #tpu.memory_space<vmem_shared>> -> memref<100x128xf32, #tpu.memory_space<vmem_shared>>
      tpu.enqueue_dma source(%arg8 : memref<100x128xf32, #tpu.memory_space<vmem>>) target(%dma_start3A_147 : memref<100x128xf32, #tpu.memory_space<vmem_shared>>) target_semaphore(%run_scoped3A : memref<!tpu.dma_semaphore, #tpu.memory_space<semaphore_mem>>)
      %dma_wait3A_148 = arith.constant 0 : i32
      %dma_wait3A_149 = tpu.memref_slice %arg11[%add3A_13, %dma_wait3A_148] : memref<10000x128xf32, #tpu.memory_space<vmem_shared>> -> memref<100x128xf32, #tpu.memory_space<vmem_shared>>
      %dma_wait3A_150 = arith.constant 0 : i32
      %dma_wait3A_151 = tpu.memref_slice %arg11[%add3A_13, %dma_wait3A_150] : memref<10000x128xf32, #tpu.memory_space<vmem_shared>> -> memref<100x128xf32, #tpu.memory_space<vmem_shared>>
      tpu.wait_dma2 semaphore(%run_scoped3A : memref<!tpu.dma_semaphore, #tpu.memory_space<semaphore_mem>>) src(%arg8 : memref<100x128xf32, #tpu.memory_space<vmem>>) dst(%dma_wait3A_151 : memref<100x128xf32, #tpu.memory_space<vmem_shared>>)
      tpu.yield
    }) : () -> ()
    %add3A_14 = arith.constant 0 : i32
    %add3A_15 = arith.addi %mul3A_11, %add3A_14 : i32
    "tpu.region"() ({
      %run_scoped3A = tpu.sem_alloc : memref<!tpu.dma_semaphore, #tpu.memory_space<semaphore_mem>>
      %dma_start3A_144 = arith.constant 0 : i32
      %dma_start3A_145 = tpu.memref_slice %arg12[%add3A_15, %dma_start3A_144] : memref<10000x16xf32, #tpu.memory_space<vmem_shared>> -> memref<100x16xf32, #tpu.memory_space<vmem_shared>>
      %dma_start3A_146 = arith.constant 0 : i32
      %dma_start3A_147 = tpu.memref_slice %arg12[%add3A_15, %dma_start3A_146] : memref<10000x16xf32, #tpu.memory_space<vmem_shared>> -> memref<100x16xf32, #tpu.memory_space<vmem_shared>>
      tpu.enqueue_dma source(%arg10 : memref<100x16xf32, #tpu.memory_space<vmem>>) target(%dma_start3A_147 : memref<100x16xf32, #tpu.memory_space<vmem_shared>>) target_semaphore(%run_scoped3A : memref<!tpu.dma_semaphore, #tpu.memory_space<semaphore_mem>>)
      %dma_wait3A_148 = arith.constant 0 : i32
      %dma_wait3A_149 = tpu.memref_slice %arg12[%add3A_15, %dma_wait3A_148] : memref<10000x16xf32, #tpu.memory_space<vmem_shared>> -> memref<100x16xf32, #tpu.memory_space<vmem_shared>>
      %dma_wait3A_150 = arith.constant 0 : i32
      %dma_wait3A_151 = tpu.memref_slice %arg12[%add3A_15, %dma_wait3A_150] : memref<10000x16xf32, #tpu.memory_space<vmem_shared>> -> memref<100x16xf32, #tpu.memory_space<vmem_shared>>
      tpu.wait_dma2 semaphore(%run_scoped3A : memref<!tpu.dma_semaphore, #tpu.memory_space<semaphore_mem>>) src(%arg10 : memref<100x16xf32, #tpu.memory_space<vmem>>) dst(%dma_wait3A_151 : memref<100x16xf32, #tpu.memory_space<vmem_shared>>)
      tpu.yield
    }) : () -> ()
    %add3A_16 = arith.constant 100 : i32
    %add3A_17 = arith.addi %mul3A_11, %add3A_16 : i32
    "tpu.region"() ({
      %run_scoped3A = tpu.sem_alloc : memref<!tpu.dma_semaphore, #tpu.memory_space<semaphore_mem>>
      %dma_start3A_144 = arith.constant 0 : i32
      %dma_start3A_145 = tpu.memref_slice %arg11[%add3A_17, %dma_start3A_144] : memref<10000x128xf32, #tpu.memory_space<vmem_shared>> -> memref<100x128xf32, #tpu.memory_space<vmem_shared>>
      %dma_start3A_146 = arith.constant 0 : i32
      %dma_start3A_147 = tpu.memref_slice %arg11[%add3A_17, %dma_start3A_146] : memref<10000x128xf32, #tpu.memory_space<vmem_shared>> -> memref<100x128xf32, #tpu.memory_space<vmem_shared>>
      tpu.enqueue_dma source(%arg8 : memref<100x128xf32, #tpu.memory_space<vmem>>) target(%dma_start3A_147 : memref<100x128xf32, #tpu.memory_space<vmem_shared>>) target_semaphore(%run_scoped3A : memref<!tpu.dma_semaphore, #tpu.memory_space<semaphore_mem>>)
      %dma_wait3A_148 = arith.constant 0 : i32
      %dma_wait3A_149 = tpu.memref_slice %arg11[%add3A_17, %dma_wait3A_148] : memref<10000x128xf32, #tpu.memory_space<vmem_shared>> -> memref<100x128xf32, #tpu.memory_space<vmem_shared>>
      %dma_wait3A_150 = arith.constant 0 : i32
      %dma_wait3A_151 = tpu.memref_slice %arg11[%add3A_17, %dma_wait3A_150] : memref<10000x128xf32, #tpu.memory_space<vmem_shared>> -> memref<100x128xf32, #tpu.memory_space<vmem_shared>>
      tpu.wait_dma2 semaphore(%run_scoped3A : memref<!tpu.dma_semaphore, #tpu.memory_space<semaphore_mem>>) src(%arg8 : memref<100x128xf32, #tpu.memory_space<vmem>>) dst(%dma_wait3A_151 : memref<100x128xf32, #tpu.memory_space<vmem_shared>>)
      tpu.yield
    }) : () -> ()
    %add3A_18 = arith.constant 100 : i32
    %add3A_19 = arith.addi %mul3A_11, %add3A_18 : i32
    "tpu.region"() ({
      %run_scoped3A = tpu.sem_alloc : memref<!tpu.dma_semaphore, #tpu.memory_space<semaphore_mem>>
      %dma_start3A_144 = arith.constant 0 : i32
      %dma_start3A_145 = tpu.memref_slice %arg12[%add3A_19, %dma_start3A_144] : memref<10000x16xf32, #tpu.memory_space<vmem_shared>> -> memref<100x16xf32, #tpu.memory_space<vmem_shared>>
      %dma_start3A_146 = arith.constant 0 : i32
      %dma_start3A_147 = tpu.memref_slice %arg12[%add3A_19, %dma_start3A_146] : memref<10000x16xf32, #tpu.memory_space<vmem_shared>> -> memref<100x16xf32, #tpu.memory_space<vmem_shared>>
      tpu.enqueue_dma source(%arg10 : memref<100x16xf32, #tpu.memory_space<vmem>>) target(%dma_start3A_147 : memref<100x16xf32, #tpu.memory_space<vmem_shared>>) target_semaphore(%run_scoped3A : memref<!tpu.dma_semaphore, #tpu.memory_space<semaphore_mem>>)
      %dma_wait3A_148 = arith.constant 0 : i32
      %dma_wait3A_149 = tpu.memref_slice %arg12[%add3A_19, %dma_wait3A_148] : memref<10000x16xf32, #tpu.memory_space<vmem_shared>> -> memref<100x16xf32, #tpu.memory_space<vmem_shared>>
      %dma_wait3A_150 = arith.constant 0 : i32
      %dma_wait3A_151 = tpu.memref_slice %arg12[%add3A_19, %dma_wait3A_150] : memref<10000x16xf32, #tpu.memory_space<vmem_shared>> -> memref<100x16xf32, #tpu.memory_space<vmem_shared>>
      tpu.wait_dma2 semaphore(%run_scoped3A : memref<!tpu.dma_semaphore, #tpu.memory_space<semaphore_mem>>) src(%arg10 : memref<100x16xf32, #tpu.memory_space<vmem>>) dst(%dma_wait3A_151 : memref<100x16xf32, #tpu.memory_space<vmem_shared>>)
      tpu.yield
    }) : () -> ()
    %add3A_20 = arith.constant 200 : i32
    %add3A_21 = arith.addi %mul3A_11, %add3A_20 : i32
    "tpu.region"() ({
      %run_scoped3A = tpu.sem_alloc : memref<!tpu.dma_semaphore, #tpu.memory_space<semaphore_mem>>
      %dma_start3A_144 = arith.constant 0 : i32
      %dma_start3A_145 = tpu.memref_slice %arg11[%add3A_21, %dma_start3A_144] : memref<10000x128xf32, #tpu.memory_space<vmem_shared>> -> memref<100x128xf32, #tpu.memory_space<vmem_shared>>
      %dma_start3A_146 = arith.constant 0 : i32
      %dma_start3A_147 = tpu.memref_slice %arg11[%add3A_21, %dma_start3A_146] : memref<10000x128xf32, #tpu.memory_space<vmem_shared>> -> memref<100x128xf32, #tpu.memory_space<vmem_shared>>
      tpu.enqueue_dma source(%arg8 : memref<100x128xf32, #tpu.memory_space<vmem>>) target(%dma_start3A_147 : memref<100x128xf32, #tpu.memory_space<vmem_shared>>) target_semaphore(%run_scoped3A : memref<!tpu.dma_semaphore, #tpu.memory_space<semaphore_mem>>)
      %dma_wait3A_148 = arith.constant 0 : i32
      %dma_wait3A_149 = tpu.memref_slice %arg11[%add3A_21, %dma_wait3A_148] : memref<10000x128xf32, #tpu.memory_space<vmem_shared>> -> memref<100x128xf32, #tpu.memory_space<vmem_shared>>
      %dma_wait3A_150 = arith.constant 0 : i32
      %dma_wait3A_151 = tpu.memref_slice %arg11[%add3A_21, %dma_wait3A_150] : memref<10000x128xf32, #tpu.memory_space<vmem_shared>> -> memref<100x128xf32, #tpu.memory_space<vmem_shared>>
      tpu.wait_dma2 semaphore(%run_scoped3A : memref<!tpu.dma_semaphore, #tpu.memory_space<semaphore_mem>>) src(%arg8 : memref<100x128xf32, #tpu.memory_space<vmem>>) dst(%dma_wait3A_151 : memref<100x128xf32, #tpu.memory_space<vmem_shared>>)
      tpu.yield
    }) : () -> ()
    %add3A_22 = arith.constant 200 : i32
    %add3A_23 = arith.addi %mul3A_11, %add3A_22 : i32
    "tpu.region"() ({
      %run_scoped3A = tpu.sem_alloc : memref<!tpu.dma_semaphore, #tpu.memory_space<semaphore_mem>>
      %dma_start3A_144 = arith.constant 0 : i32
      %dma_start3A_145 = tpu.memref_slice %arg12[%add3A_23, %dma_start3A_144] : memref<10000x16xf32, #tpu.memory_space<vmem_shared>> -> memref<100x16xf32, #tpu.memory_space<vmem_shared>>
      %dma_start3A_146 = arith.constant 0 : i32
      %dma_start3A_147 = tpu.memref_slice %arg12[%add3A_23, %dma_start3A_146] : memref<10000x16xf32, #tpu.memory_space<vmem_shared>> -> memref<100x16xf32, #tpu.memory_space<vmem_shared>>
      tpu.enqueue_dma source(%arg10 : memref<100x16xf32, #tpu.memory_space<vmem>>) target(%dma_start3A_147 : memref<100x16xf32, #tpu.memory_space<vmem_shared>>) target_semaphore(%run_scoped3A : memref<!tpu.dma_semaphore, #tpu.memory_space<semaphore_mem>>)
      %dma_wait3A_148 = arith.constant 0 : i32
      %dma_wait3A_149 = tpu.memref_slice %arg12[%add3A_23, %dma_wait3A_148] : memref<10000x16xf32, #tpu.memory_space<vmem_shared>> -> memref<100x16xf32, #tpu.memory_space<vmem_shared>>
      %dma_wait3A_150 = arith.constant 0 : i32
      %dma_wait3A_151 = tpu.memref_slice %arg12[%add3A_23, %dma_wait3A_150] : memref<10000x16xf32, #tpu.memory_space<vmem_shared>> -> memref<100x16xf32, #tpu.memory_space<vmem_shared>>
      tpu.wait_dma2 semaphore(%run_scoped3A : memref<!tpu.dma_semaphore, #tpu.memory_space<semaphore_mem>>) src(%arg10 : memref<100x16xf32, #tpu.memory_space<vmem>>) dst(%dma_wait3A_151 : memref<100x16xf32, #tpu.memory_space<vmem_shared>>)
      tpu.yield
    }) : () -> ()
    %add3A_24 = arith.constant 300 : i32
    %add3A_25 = arith.addi %mul3A_11, %add3A_24 : i32
    "tpu.region"() ({
      %run_scoped3A = tpu.sem_alloc : memref<!tpu.dma_semaphore, #tpu.memory_space<semaphore_mem>>
      %dma_start3A_144 = arith.constant 0 : i32
      %dma_start3A_145 = tpu.memref_slice %arg11[%add3A_25, %dma_start3A_144] : memref<10000x128xf32, #tpu.memory_space<vmem_shared>> -> memref<100x128xf32, #tpu.memory_space<vmem_shared>>
      %dma_start3A_146 = arith.constant 0 : i32
      %dma_start3A_147 = tpu.memref_slice %arg11[%add3A_25, %dma_start3A_146] : memref<10000x128xf32, #tpu.memory_space<vmem_shared>> -> memref<100x128xf32, #tpu.memory_space<vmem_shared>>
      tpu.enqueue_dma source(%arg8 : memref<100x128xf32, #tpu.memory_space<vmem>>) target(%dma_start3A_147 : memref<100x128xf32, #tpu.memory_space<vmem_shared>>) target_semaphore(%run_scoped3A : memref<!tpu.dma_semaphore, #tpu.memory_space<semaphore_mem>>)
      %dma_wait3A_148 = arith.constant 0 : i32
      %dma_wait3A_149 = tpu.memref_slice %arg11[%add3A_25, %dma_wait3A_148] : memref<10000x128xf32, #tpu.memory_space<vmem_shared>> -> memref<100x128xf32, #tpu.memory_space<vmem_shared>>
      %dma_wait3A_150 = arith.constant 0 : i32
      %dma_wait3A_151 = tpu.memref_slice %arg11[%add3A_25, %dma_wait3A_150] : memref<10000x128xf32, #tpu.memory_space<vmem_shared>> -> memref<100x128xf32, #tpu.memory_space<vmem_shared>>
      tpu.wait_dma2 semaphore(%run_scoped3A : memref<!tpu.dma_semaphore, #tpu.memory_space<semaphore_mem>>) src(%arg8 : memref<100x128xf32, #tpu.memory_space<vmem>>) dst(%dma_wait3A_151 : memref<100x128xf32, #tpu.memory_space<vmem_shared>>)
      tpu.yield
    }) : () -> ()
    %add3A_26 = arith.constant 300 : i32
    %add3A_27 = arith.addi %mul3A_11, %add3A_26 : i32
    "tpu.region"() ({
      %run_scoped3A = tpu.sem_alloc : memref<!tpu.dma_semaphore, #tpu.memory_space<semaphore_mem>>
      %dma_start3A_144 = arith.constant 0 : i32
      %dma_start3A_145 = tpu.memref_slice %arg12[%add3A_27, %dma_start3A_144] : memref<10000x16xf32, #tpu.memory_space<vmem_shared>> -> memref<100x16xf32, #tpu.memory_space<vmem_shared>>
      %dma_start3A_146 = arith.constant 0 : i32
      %dma_start3A_147 = tpu.memref_slice %arg12[%add3A_27, %dma_start3A_146] : memref<10000x16xf32, #tpu.memory_space<vmem_shared>> -> memref<100x16xf32, #tpu.memory_space<vmem_shared>>
      tpu.enqueue_dma source(%arg10 : memref<100x16xf32, #tpu.memory_space<vmem>>) target(%dma_start3A_147 : memref<100x16xf32, #tpu.memory_space<vmem_shared>>) target_semaphore(%run_scoped3A : memref<!tpu.dma_semaphore, #tpu.memory_space<semaphore_mem>>)
      %dma_wait3A_148 = arith.constant 0 : i32
      %dma_wait3A_149 = tpu.memref_slice %arg12[%add3A_27, %dma_wait3A_148] : memref<10000x16xf32, #tpu.memory_space<vmem_shared>> -> memref<100x16xf32, #tpu.memory_space<vmem_shared>>
      %dma_wait3A_150 = arith.constant 0 : i32
      %dma_wait3A_151 = tpu.memref_slice %arg12[%add3A_27, %dma_wait3A_150] : memref<10000x16xf32, #tpu.memory_space<vmem_shared>> -> memref<100x16xf32, #tpu.memory_space<vmem_shared>>
      tpu.wait_dma2 semaphore(%run_scoped3A : memref<!tpu.dma_semaphore, #tpu.memory_space<semaphore_mem>>) src(%arg10 : memref<100x16xf32, #tpu.memory_space<vmem>>) dst(%dma_wait3A_151 : memref<100x16xf32, #tpu.memory_space<vmem_shared>>)
      tpu.yield
    }) : () -> ()
    %add3A_28 = arith.constant 400 : i32
    %add3A_29 = arith.addi %mul3A_11, %add3A_28 : i32
    "tpu.region"() ({
      %run_scoped3A = tpu.sem_alloc : memref<!tpu.dma_semaphore, #tpu.memory_space<semaphore_mem>>
      %dma_start3A_144 = arith.constant 0 : i32
      %dma_start3A_145 = tpu.memref_slice %arg11[%add3A_29, %dma_start3A_144] : memref<10000x128xf32, #tpu.memory_space<vmem_shared>> -> memref<100x128xf32, #tpu.memory_space<vmem_shared>>
      %dma_start3A_146 = arith.constant 0 : i32
      %dma_start3A_147 = tpu.memref_slice %arg11[%add3A_29, %dma_start3A_146] : memref<10000x128xf32, #tpu.memory_space<vmem_shared>> -> memref<100x128xf32, #tpu.memory_space<vmem_shared>>
      tpu.enqueue_dma source(%arg8 : memref<100x128xf32, #tpu.memory_space<vmem>>) target(%dma_start3A_147 : memref<100x128xf32, #tpu.memory_space<vmem_shared>>) target_semaphore(%run_scoped3A : memref<!tpu.dma_semaphore, #tpu.memory_space<semaphore_mem>>)
      %dma_wait3A_148 = arith.constant 0 : i32
      %dma_wait3A_149 = tpu.memref_slice %arg11[%add3A_29, %dma_wait3A_148] : memref<10000x128xf32, #tpu.memory_space<vmem_shared>> -> memref<100x128xf32, #tpu.memory_space<vmem_shared>>
      %dma_wait3A_150 = arith.constant 0 : i32
      %dma_wait3A_151 = tpu.memref_slice %arg11[%add3A_29, %dma_wait3A_150] : memref<10000x128xf32, #tpu.memory_space<vmem_shared>> -> memref<100x128xf32, #tpu.memory_space<vmem_shared>>
      tpu.wait_dma2 semaphore(%run_scoped3A : memref<!tpu.dma_semaphore, #tpu.memory_space<semaphore_mem>>) src(%arg8 : memref<100x128xf32, #tpu.memory_space<vmem>>) dst(%dma_wait3A_151 : memref<100x128xf32, #tpu.memory_space<vmem_shared>>)
      tpu.yield
    }) : () -> ()
    %add3A_30 = arith.constant 400 : i32
    %add3A_31 = arith.addi %mul3A_11, %add3A_30 : i32
    "tpu.region"() ({
      %run_scoped3A = tpu.sem_alloc : memref<!tpu.dma_semaphore, #tpu.memory_space<semaphore_mem>>
      %dma_start3A_144 = arith.constant 0 : i32
      %dma_start3A_145 = tpu.memref_slice %arg12[%add3A_31, %dma_start3A_144] : memref<10000x16xf32, #tpu.memory_space<vmem_shared>> -> memref<100x16xf32, #tpu.memory_space<vmem_shared>>
      %dma_start3A_146 = arith.constant 0 : i32
      %dma_start3A_147 = tpu.memref_slice %arg12[%add3A_31, %dma_start3A_146] : memref<10000x16xf32, #tpu.memory_space<vmem_shared>> -> memref<100x16xf32, #tpu.memory_space<vmem_shared>>
      tpu.enqueue_dma source(%arg10 : memref<100x16xf32, #tpu.memory_space<vmem>>) target(%dma_start3A_147 : memref<100x16xf32, #tpu.memory_space<vmem_shared>>) target_semaphore(%run_scoped3A : memref<!tpu.dma_semaphore, #tpu.memory_space<semaphore_mem>>)
      %dma_wait3A_148 = arith.constant 0 : i32
      %dma_wait3A_149 = tpu.memref_slice %arg12[%add3A_31, %dma_wait3A_148] : memref<10000x16xf32, #tpu.memory_space<vmem_shared>> -> memref<100x16xf32, #tpu.memory_space<vmem_shared>>
      %dma_wait3A_150 = arith.constant 0 : i32
      %dma_wait3A_151 = tpu.memref_slice %arg12[%add3A_31, %dma_wait3A_150] : memref<10000x16xf32, #tpu.memory_space<vmem_shared>> -> memref<100x16xf32, #tpu.memory_space<vmem_shared>>
      tpu.wait_dma2 semaphore(%run_scoped3A : memref<!tpu.dma_semaphore, #tpu.memory_space<semaphore_mem>>) src(%arg10 : memref<100x16xf32, #tpu.memory_space<vmem>>) dst(%dma_wait3A_151 : memref<100x16xf32, #tpu.memory_space<vmem_shared>>)
      tpu.yield
    }) : () -> ()
    %add3A_32 = arith.constant 500 : i32
    %add3A_33 = arith.addi %mul3A_11, %add3A_32 : i32
    "tpu.region"() ({
      %run_scoped3A = tpu.sem_alloc : memref<!tpu.dma_semaphore, #tpu.memory_space<semaphore_mem>>
      %dma_start3A_144 = arith.constant 0 : i32
      %dma_start3A_145 = tpu.memref_slice %arg11[%add3A_33, %dma_start3A_144] : memref<10000x128xf32, #tpu.memory_space<vmem_shared>> -> memref<100x128xf32, #tpu.memory_space<vmem_shared>>
      %dma_start3A_146 = arith.constant 0 : i32
      %dma_start3A_147 = tpu.memref_slice %arg11[%add3A_33, %dma_start3A_146] : memref<10000x128xf32, #tpu.memory_space<vmem_shared>> -> memref<100x128xf32, #tpu.memory_space<vmem_shared>>
      tpu.enqueue_dma source(%arg8 : memref<100x128xf32, #tpu.memory_space<vmem>>) target(%dma_start3A_147 : memref<100x128xf32, #tpu.memory_space<vmem_shared>>) target_semaphore(%run_scoped3A : memref<!tpu.dma_semaphore, #tpu.memory_space<semaphore_mem>>)
      %dma_wait3A_148 = arith.constant 0 : i32
      %dma_wait3A_149 = tpu.memref_slice %arg11[%add3A_33, %dma_wait3A_148] : memref<10000x128xf32, #tpu.memory_space<vmem_shared>> -> memref<100x128xf32, #tpu.memory_space<vmem_shared>>
      %dma_wait3A_150 = arith.constant 0 : i32
      %dma_wait3A_151 = tpu.memref_slice %arg11[%add3A_33, %dma_wait3A_150] : memref<10000x128xf32, #tpu.memory_space<vmem_shared>> -> memref<100x128xf32, #tpu.memory_space<vmem_shared>>
      tpu.wait_dma2 semaphore(%run_scoped3A : memref<!tpu.dma_semaphore, #tpu.memory_space<semaphore_mem>>) src(%arg8 : memref<100x128xf32, #tpu.memory_space<vmem>>) dst(%dma_wait3A_151 : memref<100x128xf32, #tpu.memory_space<vmem_shared>>)
      tpu.yield
    }) : () -> ()
    %add3A_34 = arith.constant 500 : i32
    %add3A_35 = arith.addi %mul3A_11, %add3A_34 : i32
    "tpu.region"() ({
      %run_scoped3A = tpu.sem_alloc : memref<!tpu.dma_semaphore, #tpu.memory_space<semaphore_mem>>
      %dma_start3A_144 = arith.constant 0 : i32
      %dma_start3A_145 = tpu.memref_slice %arg12[%add3A_35, %dma_start3A_144] : memref<10000x16xf32, #tpu.memory_space<vmem_shared>> -> memref<100x16xf32, #tpu.memory_space<vmem_shared>>
      %dma_start3A_146 = arith.constant 0 : i32
      %dma_start3A_147 = tpu.memref_slice %arg12[%add3A_35, %dma_start3A_146] : memref<10000x16xf32, #tpu.memory_space<vmem_shared>> -> memref<100x16xf32, #tpu.memory_space<vmem_shared>>
      tpu.enqueue_dma source(%arg10 : memref<100x16xf32, #tpu.memory_space<vmem>>) target(%dma_start3A_147 : memref<100x16xf32, #tpu.memory_space<vmem_shared>>) target_semaphore(%run_scoped3A : memref<!tpu.dma_semaphore, #tpu.memory_space<semaphore_mem>>)
      %dma_wait3A_148 = arith.constant 0 : i32
      %dma_wait3A_149 = tpu.memref_slice %arg12[%add3A_35, %dma_wait3A_148] : memref<10000x16xf32, #tpu.memory_space<vmem_shared>> -> memref<100x16xf32, #tpu.memory_space<vmem_shared>>
      %dma_wait3A_150 = arith.constant 0 : i32
      %dma_wait3A_151 = tpu.memref_slice %arg12[%add3A_35, %dma_wait3A_150] : memref<10000x16xf32, #tpu.memory_space<vmem_shared>> -> memref<100x16xf32, #tpu.memory_space<vmem_shared>>
      tpu.wait_dma2 semaphore(%run_scoped3A : memref<!tpu.dma_semaphore, #tpu.memory_space<semaphore_mem>>) src(%arg10 : memref<100x16xf32, #tpu.memory_space<vmem>>) dst(%dma_wait3A_151 : memref<100x16xf32, #tpu.memory_space<vmem_shared>>)
      tpu.yield
    }) : () -> ()
    %add3A_36 = arith.constant 600 : i32
    %add3A_37 = arith.addi %mul3A_11, %add3A_36 : i32
    "tpu.region"() ({
      %run_scoped3A = tpu.sem_alloc : memref<!tpu.dma_semaphore, #tpu.memory_space<semaphore_mem>>
      %dma_start3A_144 = arith.constant 0 : i32
      %dma_start3A_145 = arith.constant 0 : i32
      %dma_start3A_146 = tpu.memref_slice %arg8[%dma_start3A_144, %dma_start3A_145] : memref<100x128xf32, #tpu.memory_space<vmem>> -> memref<25x128xf32, #tpu.memory_space<vmem>>
      %dma_start3A_147 = arith.constant 0 : i32
      %dma_start3A_148 = tpu.memref_slice %arg11[%add3A_37, %dma_start3A_147] : memref<10000x128xf32, #tpu.memory_space<vmem_shared>> -> memref<25x128xf32, #tpu.memory_space<vmem_shared>>
      %dma_start3A_149 = arith.constant 0 : i32
      %dma_start3A_150 = tpu.memref_slice %arg11[%add3A_37, %dma_start3A_149] : memref<10000x128xf32, #tpu.memory_space<vmem_shared>> -> memref<25x128xf32, #tpu.memory_space<vmem_shared>>
      %dma_start3A_151 = arith.constant 0 : i32
      %dma_start3A_152 = arith.constant 0 : i32
      %dma_start3A_153 = tpu.memref_slice %arg8[%dma_start3A_151, %dma_start3A_152] : memref<100x128xf32, #tpu.memory_space<vmem>> -> memref<25x128xf32, #tpu.memory_space<vmem>>
      tpu.enqueue_dma source(%dma_start3A_153 : memref<25x128xf32, #tpu.memory_space<vmem>>) target(%dma_start3A_150 : memref<25x128xf32, #tpu.memory_space<vmem_shared>>) target_semaphore(%run_scoped3A : memref<!tpu.dma_semaphore, #tpu.memory_space<semaphore_mem>>)
      %dma_wait3A_154 = arith.constant 0 : i32
      %dma_wait3A_155 = arith.constant 0 : i32
      %dma_wait3A_156 = tpu.memref_slice %arg8[%dma_wait3A_154, %dma_wait3A_155] : memref<100x128xf32, #tpu.memory_space<vmem>> -> memref<25x128xf32, #tpu.memory_space<vmem>>
      %dma_wait3A_157 = arith.constant 0 : i32
      %dma_wait3A_158 = tpu.memref_slice %arg11[%add3A_37, %dma_wait3A_157] : memref<10000x128xf32, #tpu.memory_space<vmem_shared>> -> memref<25x128xf32, #tpu.memory_space<vmem_shared>>
      %dma_wait3A_159 = arith.constant 0 : i32
      %dma_wait3A_160 = tpu.memref_slice %arg11[%add3A_37, %dma_wait3A_159] : memref<10000x128xf32, #tpu.memory_space<vmem_shared>> -> memref<25x128xf32, #tpu.memory_space<vmem_shared>>
      %dma_wait3A_161 = arith.constant 0 : i32
      %dma_wait3A_162 = arith.constant 0 : i32
      %dma_wait3A_163 = tpu.memref_slice %arg8[%dma_wait3A_161, %dma_wait3A_162] : memref<100x128xf32, #tpu.memory_space<vmem>> -> memref<25x128xf32, #tpu.memory_space<vmem>>
      tpu.wait_dma2 semaphore(%run_scoped3A : memref<!tpu.dma_semaphore, #tpu.memory_space<semaphore_mem>>) src(%dma_wait3A_163 : memref<25x128xf32, #tpu.memory_space<vmem>>) dst(%dma_wait3A_160 : memref<25x128xf32, #tpu.memory_space<vmem_shared>>)
      tpu.yield
    }) : () -> ()
    "tpu.region"() ({
      %run_scoped3A = tpu.sem_alloc : memref<!tpu.dma_semaphore, #tpu.memory_space<semaphore_mem>>
      %dma_start3A_144 = arith.constant 0 : i32
      %dma_start3A_145 = arith.constant 0 : i32
      %dma_start3A_146 = tpu.memref_slice %arg10[%dma_start3A_144, %dma_start3A_145] : memref<100x16xf32, #tpu.memory_space<vmem>> -> memref<25x16xf32, #tpu.memory_space<vmem>>
      %dma_start3A_147 = arith.constant 0 : i32
      %dma_start3A_148 = tpu.memref_slice %arg12[%add3A_37, %dma_start3A_147] : memref<10000x16xf32, #tpu.memory_space<vmem_shared>> -> memref<25x16xf32, #tpu.memory_space<vmem_shared>>
      %dma_start3A_149 = arith.constant 0 : i32
      %dma_start3A_150 = tpu.memref_slice %arg12[%add3A_37, %dma_start3A_149] : memref<10000x16xf32, #tpu.memory_space<vmem_shared>> -> memref<25x16xf32, #tpu.memory_space<vmem_shared>>
      %dma_start3A_151 = arith.constant 0 : i32
      %dma_start3A_152 = arith.constant 0 : i32
      %dma_start3A_153 = tpu.memref_slice %arg10[%dma_start3A_151, %dma_start3A_152] : memref<100x16xf32, #tpu.memory_space<vmem>> -> memref<25x16xf32, #tpu.memory_space<vmem>>
      tpu.enqueue_dma source(%dma_start3A_153 : memref<25x16xf32, #tpu.memory_space<vmem>>) target(%dma_start3A_150 : memref<25x16xf32, #tpu.memory_space<vmem_shared>>) target_semaphore(%run_scoped3A : memref<!tpu.dma_semaphore, #tpu.memory_space<semaphore_mem>>)
      %dma_wait3A_154 = arith.constant 0 : i32
      %dma_wait3A_155 = arith.constant 0 : i32
      %dma_wait3A_156 = tpu.memref_slice %arg10[%dma_wait3A_154, %dma_wait3A_155] : memref<100x16xf32, #tpu.memory_space<vmem>> -> memref<25x16xf32, #tpu.memory_space<vmem>>
      %dma_wait3A_157 = arith.constant 0 : i32
      %dma_wait3A_158 = tpu.memref_slice %arg12[%add3A_37, %dma_wait3A_157] : memref<10000x16xf32, #tpu.memory_space<vmem_shared>> -> memref<25x16xf32, #tpu.memory_space<vmem_shared>>
      %dma_wait3A_159 = arith.constant 0 : i32
      %dma_wait3A_160 = tpu.memref_slice %arg12[%add3A_37, %dma_wait3A_159] : memref<10000x16xf32, #tpu.memory_space<vmem_shared>> -> memref<25x16xf32, #tpu.memory_space<vmem_shared>>
      %dma_wait3A_161 = arith.constant 0 : i32
      %dma_wait3A_162 = arith.constant 0 : i32
      %dma_wait3A_163 = tpu.memref_slice %arg10[%dma_wait3A_161, %dma_wait3A_162] : memref<100x16xf32, #tpu.memory_space<vmem>> -> memref<25x16xf32, #tpu.memory_space<vmem>>
      tpu.wait_dma2 semaphore(%run_scoped3A : memref<!tpu.dma_semaphore, #tpu.memory_space<semaphore_mem>>) src(%dma_wait3A_163 : memref<25x16xf32, #tpu.memory_space<vmem>>) dst(%dma_wait3A_160 : memref<25x16xf32, #tpu.memory_space<vmem_shared>>)
      tpu.yield
    }) : () -> ()
    %scan3A_38 = arith.constant 0 : i32
    %scan3A_39 = arith.constant 100 : i32
    %scan3A_40 = arith.addi %scan3A_38, %scan3A_39 : i32
    %scan3A_41 = arith.constant 1 : i32
    scf.for %scan3A_144 = %scan3A_38 to %scan3A_40 step %scan3A_41  : i32 {
      %broadcast_in_dim3A = arith.constant 1.000000e+00 : f32
      %broadcast_in_dim3A_145 = vector.broadcast %broadcast_in_dim3A : f32 to vector<16xf32>
      %swap3A = arith.index_cast %scan3A_144 : i32 to index
      %swap3A_146 = arith.constant 0 : index
      %swap3A_147 = tpu.vector_load %arg10[%swap3A, %swap3A_146] {strides = array<i32>} : memref<100x16xf32, #tpu.memory_space<vmem>>, vector<1x16xf32>,
      %swap3A_148 = vector.shape_cast %swap3A_147 : vector<1x16xf32> to vector<16xf32>
      %swap3A_149 = vector.shape_cast %broadcast_in_dim3A_145 : vector<16xf32> to vector<1x16xf32>
      tpu.vector_store %arg10[%swap3A, %swap3A_146], %swap3A_149 {strides = array<i32>} : memref<100x16xf32, #tpu.memory_space<vmem>>, vector<1x16xf32>,
    }
    %scan3A_42 = arith.constant 100 : i32
    %barrier3A = arith.constant 0 : index
    tpu.barrier barrier_id(%barrier3A)
    "tpu.region"() ({
      %run_scoped3A = tpu.sem_alloc : memref<!tpu.dma_semaphore, #tpu.memory_space<semaphore_mem>>
      %dma_start3A_144 = arith.constant 0 : i32
      %dma_start3A_145 = arith.constant 0 : i32
      %dma_start3A_146 = tpu.memref_slice %arg3[%add3A, %dma_start3A_144, %dma_start3A_145] : memref<64x100x100xi32, #tpu.memory_space<hbm>> -> memref<1x50x100xi32, #tpu.memory_space<hbm>>
      %dma_start3A_147 = tpu.memref_squeeze %dma_start3A_146 : memref<1x50x100xi32, #tpu.memory_space<hbm>> -> memref<50x100xi32, #tpu.memory_space<hbm>>
      %dma_start3A_148 = arith.constant 0 : i32
      %dma_start3A_149 = arith.constant 0 : i32
      %dma_start3A_150 = tpu.memref_slice %arg3[%add3A, %dma_start3A_148, %dma_start3A_149] : memref<64x100x100xi32, #tpu.memory_space<hbm>> -> memref<1x50x100xi32, #tpu.memory_space<hbm>>
      %dma_start3A_151 = tpu.memref_squeeze %dma_start3A_150 : memref<1x50x100xi32, #tpu.memory_space<hbm>> -> memref<50x100xi32, #tpu.memory_space<hbm>>
      tpu.enqueue_dma source(%dma_start3A_151 : memref<50x100xi32, #tpu.memory_space<hbm>>) target(%arg6 : memref<50x100xi32, #tpu.memory_space<vmem>>) target_semaphore(%run_scoped3A : memref<!tpu.dma_semaphore, #tpu.memory_space<semaphore_mem>>)
      %dma_wait3A_152 = arith.constant 0 : i32
      %dma_wait3A_153 = arith.constant 0 : i32
      %dma_wait3A_154 = tpu.memref_slice %arg3[%add3A, %dma_wait3A_152, %dma_wait3A_153] : memref<64x100x100xi32, #tpu.memory_space<hbm>> -> memref<1x50x100xi32, #tpu.memory_space<hbm>>
      %dma_wait3A_155 = tpu.memref_squeeze %dma_wait3A_154 : memref<1x50x100xi32, #tpu.memory_space<hbm>> -> memref<50x100xi32, #tpu.memory_space<hbm>>
      %dma_wait3A_156 = arith.constant 0 : i32
      %dma_wait3A_157 = arith.constant 0 : i32
      %dma_wait3A_158 = tpu.memref_slice %arg3[%add3A, %dma_wait3A_156, %dma_wait3A_157] : memref<64x100x100xi32, #tpu.memory_space<hbm>> -> memref<1x50x100xi32, #tpu.memory_space<hbm>>
      %dma_wait3A_159 = tpu.memref_squeeze %dma_wait3A_158 : memref<1x50x100xi32, #tpu.memory_space<hbm>> -> memref<50x100xi32, #tpu.memory_space<hbm>>
      tpu.wait_dma2 semaphore(%run_scoped3A : memref<!tpu.dma_semaphore, #tpu.memory_space<semaphore_mem>>) src(%dma_wait3A_159 : memref<50x100xi32, #tpu.memory_space<hbm>>) dst(%arg6 : memref<50x100xi32, #tpu.memory_space<vmem>>)
      tpu.yield
    }) : () -> ()
    %add3A_43 = arith.constant 32 : i32
    %add3A_44 = arith.addi %add3A_43, %add3A : i32
    "tpu.region"() ({
      %run_scoped3A = tpu.sem_alloc : memref<!tpu.dma_semaphore, #tpu.memory_space<semaphore_mem>>
      %dma_start3A_144 = arith.constant 0 : i32
      %dma_start3A_145 = arith.constant 0 : i32
      %dma_start3A_146 = tpu.memref_slice %arg3[%add3A_44, %dma_start3A_144, %dma_start3A_145] : memref<64x100x100xi32, #tpu.memory_space<hbm>> -> memref<1x50x100xi32, #tpu.memory_space<hbm>>
      %dma_start3A_147 = tpu.memref_squeeze %dma_start3A_146 : memref<1x50x100xi32, #tpu.memory_space<hbm>> -> memref<50x100xi32, #tpu.memory_space<hbm>>
      %dma_start3A_148 = arith.constant 0 : i32
      %dma_start3A_149 = arith.constant 0 : i32
      %dma_start3A_150 = tpu.memref_slice %arg3[%add3A_44, %dma_start3A_148, %dma_start3A_149] : memref<64x100x100xi32, #tpu.memory_space<hbm>> -> memref<1x50x100xi32, #tpu.memory_space<hbm>>
      %dma_start3A_151 = tpu.memref_squeeze %dma_start3A_150 : memref<1x50x100xi32, #tpu.memory_space<hbm>> -> memref<50x100xi32, #tpu.memory_space<hbm>>
      tpu.enqueue_dma source(%dma_start3A_151 : memref<50x100xi32, #tpu.memory_space<hbm>>) target(%arg7 : memref<50x100xi32, #tpu.memory_space<vmem>>) target_semaphore(%run_scoped3A : memref<!tpu.dma_semaphore, #tpu.memory_space<semaphore_mem>>)
      %dma_wait3A_152 = arith.constant 0 : i32
      %dma_wait3A_153 = arith.constant 0 : i32
      %dma_wait3A_154 = tpu.memref_slice %arg3[%add3A_44, %dma_wait3A_152, %dma_wait3A_153] : memref<64x100x100xi32, #tpu.memory_space<hbm>> -> memref<1x50x100xi32, #tpu.memory_space<hbm>>
      %dma_wait3A_155 = tpu.memref_squeeze %dma_wait3A_154 : memref<1x50x100xi32, #tpu.memory_space<hbm>> -> memref<50x100xi32, #tpu.memory_space<hbm>>
      %dma_wait3A_156 = arith.constant 0 : i32
      %dma_wait3A_157 = arith.constant 0 : i32
      %dma_wait3A_158 = tpu.memref_slice %arg3[%add3A_44, %dma_wait3A_156, %dma_wait3A_157] : memref<64x100x100xi32, #tpu.memory_space<hbm>> -> memref<1x50x100xi32, #tpu.memory_space<hbm>>
      %dma_wait3A_159 = tpu.memref_squeeze %dma_wait3A_158 : memref<1x50x100xi32, #tpu.memory_space<hbm>> -> memref<50x100xi32, #tpu.memory_space<hbm>>
      tpu.wait_dma2 semaphore(%run_scoped3A : memref<!tpu.dma_semaphore, #tpu.memory_space<semaphore_mem>>) src(%dma_wait3A_159 : memref<50x100xi32, #tpu.memory_space<hbm>>) dst(%arg7 : memref<50x100xi32, #tpu.memory_space<vmem>>)
      tpu.yield
    }) : () -> ()
    %dma_start3A = arith.constant 0 : i32
    %dma_start3A_45 = arith.constant 0 : i32
    %dma_start3A_46 = tpu.memref_slice %arg6[%dma_start3A, %dma_start3A_45] : memref<50x100xi32, #tpu.memory_space<vmem>> -> memref<1x100xi32, #tpu.memory_space<vmem>>
    %dma_start3A_47 = tpu.memref_squeeze %dma_start3A_46 : memref<1x100xi32, #tpu.memory_space<vmem>> -> memref<100xi32, #tpu.memory_space<vmem>>
    %dma_start3A_48 = arith.constant 0 : i32
    %dma_start3A_49 = arith.constant 0 : i32
    %dma_start3A_50 = tpu.memref_slice %arg2[%dma_start3A_48, %dma_start3A_49] : memref<10000x128xf32, #tpu.memory_space<hbm>> -> memref<10000x128xf32, #tpu.memory_space<hbm>>
    tpu.enqueue_indirect_dma source(%dma_start3A_50 : memref<10000x128xf32, #tpu.memory_space<hbm>>) target(%arg8 : memref<100x128xf32, #tpu.memory_space<vmem>>) offsets(%dma_start3A_47 : memref<100xi32, #tpu.memory_space<vmem>>) semaphore(%arg13 : memref<!tpu.dma_semaphore, #tpu.memory_space<semaphore_mem>>)
    %dma_start3A_51 = arith.constant 1 : i32
    %dma_start3A_52 = arith.constant 0 : i32
    %dma_start3A_53 = tpu.memref_slice %arg6[%dma_start3A_51, %dma_start3A_52] : memref<50x100xi32, #tpu.memory_space<vmem>> -> memref<1x100xi32, #tpu.memory_space<vmem>>
    %dma_start3A_54 = tpu.memref_squeeze %dma_start3A_53 : memref<1x100xi32, #tpu.memory_space<vmem>> -> memref<100xi32, #tpu.memory_space<vmem>>
    %dma_start3A_55 = arith.constant 0 : i32
    %dma_start3A_56 = arith.constant 0 : i32
    %dma_start3A_57 = tpu.memref_slice %arg2[%dma_start3A_55, %dma_start3A_56] : memref<10000x128xf32, #tpu.memory_space<hbm>> -> memref<10000x128xf32, #tpu.memory_space<hbm>>
    tpu.enqueue_indirect_dma source(%dma_start3A_57 : memref<10000x128xf32, #tpu.memory_space<hbm>>) target(%arg9 : memref<100x128xf32, #tpu.memory_space<vmem>>) offsets(%dma_start3A_54 : memref<100xi32, #tpu.memory_space<vmem>>) semaphore(%arg14 : memref<!tpu.dma_semaphore, #tpu.memory_space<semaphore_mem>>)
    %scan3A_58 = arith.constant 0 : i32
    %scan3A_59 = arith.constant 25 : i32
    %scan3A_60 = arith.addi %scan3A_58, %scan3A_59 : i32
    %scan3A_61 = arith.constant 1 : i32
    scf.for %scan3A_144 = %scan3A_58 to %scan3A_60 step %scan3A_61  : i32 {
      %mul3A_145 = arith.constant 2 : i32
      %mul3A_146 = arith.muli %mul3A_145, %scan3A_144 : i32
      %add3A_147 = arith.constant 0 : i32
      %add3A_148 = arith.addi %mul3A_146, %add3A_147 : i32
      %dma_wait3A_149 = arith.constant 0 : i32
      %dma_wait3A_150 = tpu.memref_slice %arg6[%add3A_148, %dma_wait3A_149] : memref<50x100xi32, #tpu.memory_space<vmem>> -> memref<1x100xi32, #tpu.memory_space<vmem>>
      %dma_wait3A_151 = tpu.memref_squeeze %dma_wait3A_150 : memref<1x100xi32, #tpu.memory_space<vmem>> -> memref<100xi32, #tpu.memory_space<vmem>>
      %dma_wait3A_152 = arith.constant 0 : i32
      %dma_wait3A_153 = arith.constant 0 : i32
      %dma_wait3A_154 = tpu.memref_slice %arg2[%dma_wait3A_152, %dma_wait3A_153] : memref<10000x128xf32, #tpu.memory_space<hbm>> -> memref<10000x128xf32, #tpu.memory_space<hbm>>
      tpu.wait_indirect_dma semaphore(%arg13 : memref<!tpu.dma_semaphore, #tpu.memory_space<semaphore_mem>>) src(%dma_wait3A_154 : memref<10000x128xf32, #tpu.memory_space<hbm>>) dst(%arg8 : memref<100x128xf32, #tpu.memory_space<vmem>>)
      %dma_start3A_155 = arith.constant 0 : i32
      %dma_start3A_156 = tpu.memref_slice %arg7[%add3A_148, %dma_start3A_155] : memref<50x100xi32, #tpu.memory_space<vmem>> -> memref<1x100xi32, #tpu.memory_space<vmem>>
      %dma_start3A_157 = tpu.memref_squeeze %dma_start3A_156 : memref<1x100xi32, #tpu.memory_space<vmem>> -> memref<100xi32, #tpu.memory_space<vmem>>
      %dma_start3A_158 = arith.constant 0 : i32
      %dma_start3A_159 = arith.constant 0 : i32
      %dma_start3A_160 = tpu.memref_slice %arg11[%dma_start3A_158, %dma_start3A_159] : memref<10000x128xf32, #tpu.memory_space<vmem_shared>> -> memref<10000x128xf32, #tpu.memory_space<vmem_shared>>
      tpu.enqueue_indirect_dma source(%arg8 : memref<100x128xf32, #tpu.memory_space<vmem>>) target(%dma_start3A_160 : memref<10000x128xf32, #tpu.memory_space<vmem_shared>>) offsets(%dma_start3A_157 : memref<100xi32, #tpu.memory_space<vmem>>) semaphore(%arg15 : memref<!tpu.dma_semaphore, #tpu.memory_space<semaphore_mem>>) {add = true}
      %dma_start3A_161 = arith.constant 0 : i32
      %dma_start3A_162 = tpu.memref_slice %arg7[%add3A_148, %dma_start3A_161] : memref<50x100xi32, #tpu.memory_space<vmem>> -> memref<1x100xi32, #tpu.memory_space<vmem>>
      %dma_start3A_163 = tpu.memref_squeeze %dma_start3A_162 : memref<1x100xi32, #tpu.memory_space<vmem>> -> memref<100xi32, #tpu.memory_space<vmem>>
      %dma_start3A_164 = arith.constant 0 : i32
      %dma_start3A_165 = arith.constant 0 : i32
      %dma_start3A_166 = tpu.memref_slice %arg12[%dma_start3A_164, %dma_start3A_165] : memref<10000x16xf32, #tpu.memory_space<vmem_shared>> -> memref<10000x16xf32, #tpu.memory_space<vmem_shared>>
      tpu.enqueue_indirect_dma source(%arg10 : memref<100x16xf32, #tpu.memory_space<vmem>>) target(%dma_start3A_166 : memref<10000x16xf32, #tpu.memory_space<vmem_shared>>) offsets(%dma_start3A_163 : memref<100xi32, #tpu.memory_space<vmem>>) semaphore(%arg17 : memref<!tpu.dma_semaphore, #tpu.memory_space<semaphore_mem>>) {add = true}
      %ge3A = arith.constant 2 : i32
      %ge3A_167 = arith.cmpi sge, %add3A_148, %ge3A : i32
      %convert_element_type3A_168 = arith.extui %ge3A_167 : i1 to i32
      %cond3A_169 = arith.constant 0 : i32
      %cond3A_170 = arith.cmpi ne, %convert_element_type3A_168, %cond3A_169 : i32
      scf.if %cond3A_170 {
        %sub3A = arith.constant 2 : i32
        %sub3A_211 = arith.subi %add3A_148, %sub3A : i32
        %dma_wait3A_212 = arith.constant 0 : i32
        %dma_wait3A_213 = tpu.memref_slice %arg7[%sub3A_211, %dma_wait3A_212] : memref<50x100xi32, #tpu.memory_space<vmem>> -> memref<1x100xi32, #tpu.memory_space<vmem>>
        %dma_wait3A_214 = tpu.memref_squeeze %dma_wait3A_213 : memref<1x100xi32, #tpu.memory_space<vmem>> -> memref<100xi32, #tpu.memory_space<vmem>>
        %dma_wait3A_215 = arith.constant 0 : i32
        %dma_wait3A_216 = arith.constant 0 : i32
        %dma_wait3A_217 = tpu.memref_slice %arg12[%dma_wait3A_215, %dma_wait3A_216] : memref<10000x16xf32, #tpu.memory_space<vmem_shared>> -> memref<10000x16xf32, #tpu.memory_space<vmem_shared>>
        tpu.wait_indirect_dma semaphore(%arg17 : memref<!tpu.dma_semaphore, #tpu.memory_space<semaphore_mem>>) src(%arg10 : memref<100x16xf32, #tpu.memory_space<vmem>>) dst(%dma_wait3A_217 : memref<10000x16xf32, #tpu.memory_space<vmem_shared>>)
      } else {
      }
      %add3A_171 = arith.constant 2 : i32
      %add3A_172 = arith.addi %add3A_148, %add3A_171 : i32
      %lt3A = arith.constant 50 : i32
      %lt3A_173 = arith.cmpi slt, %add3A_172, %lt3A : i32
      %convert_element_type3A_174 = arith.extui %lt3A_173 : i1 to i32
      %cond3A_175 = arith.constant 0 : i32
      %cond3A_176 = arith.cmpi ne, %convert_element_type3A_174, %cond3A_175 : i32
      scf.if %cond3A_176 {
        %dma_wait3A_211 = arith.constant 0 : i32
        %dma_wait3A_212 = tpu.memref_slice %arg7[%add3A_148, %dma_wait3A_211] : memref<50x100xi32, #tpu.memory_space<vmem>> -> memref<1x100xi32, #tpu.memory_space<vmem>>
        %dma_wait3A_213 = tpu.memref_squeeze %dma_wait3A_212 : memref<1x100xi32, #tpu.memory_space<vmem>> -> memref<100xi32, #tpu.memory_space<vmem>>
        %dma_wait3A_214 = arith.constant 0 : i32
        %dma_wait3A_215 = arith.constant 0 : i32
        %dma_wait3A_216 = tpu.memref_slice %arg11[%dma_wait3A_214, %dma_wait3A_215] : memref<10000x128xf32, #tpu.memory_space<vmem_shared>> -> memref<10000x128xf32, #tpu.memory_space<vmem_shared>>
        tpu.wait_indirect_dma semaphore(%arg15 : memref<!tpu.dma_semaphore, #tpu.memory_space<semaphore_mem>>) src(%arg8 : memref<100x128xf32, #tpu.memory_space<vmem>>) dst(%dma_wait3A_216 : memref<10000x128xf32, #tpu.memory_space<vmem_shared>>)
        %add3A_217 = arith.constant 2 : i32
        %add3A_218 = arith.addi %add3A_148, %add3A_217 : i32
        %dma_start3A_219 = arith.constant 0 : i32
        %dma_start3A_220 = tpu.memref_slice %arg6[%add3A_218, %dma_start3A_219] : memref<50x100xi32, #tpu.memory_space<vmem>> -> memref<1x100xi32, #tpu.memory_space<vmem>>
        %dma_start3A_221 = tpu.memref_squeeze %dma_start3A_220 : memref<1x100xi32, #tpu.memory_space<vmem>> -> memref<100xi32, #tpu.memory_space<vmem>>
        %dma_start3A_222 = arith.constant 0 : i32
        %dma_start3A_223 = arith.constant 0 : i32
        %dma_start3A_224 = tpu.memref_slice %arg2[%dma_start3A_222, %dma_start3A_223] : memref<10000x128xf32, #tpu.memory_space<hbm>> -> memref<10000x128xf32, #tpu.memory_space<hbm>>
        tpu.enqueue_indirect_dma source(%dma_start3A_224 : memref<10000x128xf32, #tpu.memory_space<hbm>>) target(%arg8 : memref<100x128xf32, #tpu.memory_space<vmem>>) offsets(%dma_start3A_221 : memref<100xi32, #tpu.memory_space<vmem>>) semaphore(%arg13 : memref<!tpu.dma_semaphore, #tpu.memory_space<semaphore_mem>>)
      } else {
      }
      %mul3A_177 = arith.constant 2 : i32
      %mul3A_178 = arith.muli %mul3A_177, %scan3A_144 : i32
      %add3A_179 = arith.constant 1 : i32
      %add3A_180 = arith.addi %mul3A_178, %add3A_179 : i32
      %dma_wait3A_181 = arith.constant 0 : i32
      %dma_wait3A_182 = tpu.memref_slice %arg6[%add3A_180, %dma_wait3A_181] : memref<50x100xi32, #tpu.memory_space<vmem>> -> memref<1x100xi32, #tpu.memory_space<vmem>>
      %dma_wait3A_183 = tpu.memref_squeeze %dma_wait3A_182 : memref<1x100xi32, #tpu.memory_space<vmem>> -> memref<100xi32, #tpu.memory_space<vmem>>
      %dma_wait3A_184 = arith.constant 0 : i32
      %dma_wait3A_185 = arith.constant 0 : i32
      %dma_wait3A_186 = tpu.memref_slice %arg2[%dma_wait3A_184, %dma_wait3A_185] : memref<10000x128xf32, #tpu.memory_space<hbm>> -> memref<10000x128xf32, #tpu.memory_space<hbm>>
      tpu.wait_indirect_dma semaphore(%arg14 : memref<!tpu.dma_semaphore, #tpu.memory_space<semaphore_mem>>) src(%dma_wait3A_186 : memref<10000x128xf32, #tpu.memory_space<hbm>>) dst(%arg9 : memref<100x128xf32, #tpu.memory_space<vmem>>)
      %dma_start3A_187 = arith.constant 0 : i32
      %dma_start3A_188 = tpu.memref_slice %arg7[%add3A_180, %dma_start3A_187] : memref<50x100xi32, #tpu.memory_space<vmem>> -> memref<1x100xi32, #tpu.memory_space<vmem>>
      %dma_start3A_189 = tpu.memref_squeeze %dma_start3A_188 : memref<1x100xi32, #tpu.memory_space<vmem>> -> memref<100xi32, #tpu.memory_space<vmem>>
      %dma_start3A_190 = arith.constant 0 : i32
      %dma_start3A_191 = arith.constant 0 : i32
      %dma_start3A_192 = tpu.memref_slice %arg11[%dma_start3A_190, %dma_start3A_191] : memref<10000x128xf32, #tpu.memory_space<vmem_shared>> -> memref<10000x128xf32, #tpu.memory_space<vmem_shared>>
      tpu.enqueue_indirect_dma source(%arg9 : memref<100x128xf32, #tpu.memory_space<vmem>>) target(%dma_start3A_192 : memref<10000x128xf32, #tpu.memory_space<vmem_shared>>) offsets(%dma_start3A_189 : memref<100xi32, #tpu.memory_space<vmem>>) semaphore(%arg16 : memref<!tpu.dma_semaphore, #tpu.memory_space<semaphore_mem>>) {add = true}
      %dma_start3A_193 = arith.constant 0 : i32
      %dma_start3A_194 = tpu.memref_slice %arg7[%add3A_180, %dma_start3A_193] : memref<50x100xi32, #tpu.memory_space<vmem>> -> memref<1x100xi32, #tpu.memory_space<vmem>>
      %dma_start3A_195 = tpu.memref_squeeze %dma_start3A_194 : memref<1x100xi32, #tpu.memory_space<vmem>> -> memref<100xi32, #tpu.memory_space<vmem>>
      %dma_start3A_196 = arith.constant 0 : i32
      %dma_start3A_197 = arith.constant 0 : i32
      %dma_start3A_198 = tpu.memref_slice %arg12[%dma_start3A_196, %dma_start3A_197] : memref<10000x16xf32, #tpu.memory_space<vmem_shared>> -> memref<10000x16xf32, #tpu.memory_space<vmem_shared>>
      tpu.enqueue_indirect_dma source(%arg10 : memref<100x16xf32, #tpu.memory_space<vmem>>) target(%dma_start3A_198 : memref<10000x16xf32, #tpu.memory_space<vmem_shared>>) offsets(%dma_start3A_195 : memref<100xi32, #tpu.memory_space<vmem>>) semaphore(%arg18 : memref<!tpu.dma_semaphore, #tpu.memory_space<semaphore_mem>>) {add = true}
      %ge3A_199 = arith.constant 2 : i32
      %ge3A_200 = arith.cmpi sge, %add3A_180, %ge3A_199 : i32
      %convert_element_type3A_201 = arith.extui %ge3A_200 : i1 to i32
      %cond3A_202 = arith.constant 0 : i32
      %cond3A_203 = arith.cmpi ne, %convert_element_type3A_201, %cond3A_202 : i32
      scf.if %cond3A_203 {
        %sub3A = arith.constant 2 : i32
        %sub3A_211 = arith.subi %add3A_180, %sub3A : i32
        %dma_wait3A_212 = arith.constant 0 : i32
        %dma_wait3A_213 = tpu.memref_slice %arg7[%sub3A_211, %dma_wait3A_212] : memref<50x100xi32, #tpu.memory_space<vmem>> -> memref<1x100xi32, #tpu.memory_space<vmem>>
        %dma_wait3A_214 = tpu.memref_squeeze %dma_wait3A_213 : memref<1x100xi32, #tpu.memory_space<vmem>> -> memref<100xi32, #tpu.memory_space<vmem>>
        %dma_wait3A_215 = arith.constant 0 : i32
        %dma_wait3A_216 = arith.constant 0 : i32
        %dma_wait3A_217 = tpu.memref_slice %arg12[%dma_wait3A_215, %dma_wait3A_216] : memref<10000x16xf32, #tpu.memory_space<vmem_shared>> -> memref<10000x16xf32, #tpu.memory_space<vmem_shared>>
        tpu.wait_indirect_dma semaphore(%arg18 : memref<!tpu.dma_semaphore, #tpu.memory_space<semaphore_mem>>) src(%arg10 : memref<100x16xf32, #tpu.memory_space<vmem>>) dst(%dma_wait3A_217 : memref<10000x16xf32, #tpu.memory_space<vmem_shared>>)
      } else {
      }
      %add3A_204 = arith.constant 2 : i32
      %add3A_205 = arith.addi %add3A_180, %add3A_204 : i32
      %lt3A_206 = arith.constant 50 : i32
      %lt3A_207 = arith.cmpi slt, %add3A_205, %lt3A_206 : i32
      %convert_element_type3A_208 = arith.extui %lt3A_207 : i1 to i32
      %cond3A_209 = arith.constant 0 : i32
      %cond3A_210 = arith.cmpi ne, %convert_element_type3A_208, %cond3A_209 : i32
      scf.if %cond3A_210 {
        %dma_wait3A_211 = arith.constant 0 : i32
        %dma_wait3A_212 = tpu.memref_slice %arg7[%add3A_180, %dma_wait3A_211] : memref<50x100xi32, #tpu.memory_space<vmem>> -> memref<1x100xi32, #tpu.memory_space<vmem>>
        %dma_wait3A_213 = tpu.memref_squeeze %dma_wait3A_212 : memref<1x100xi32, #tpu.memory_space<vmem>> -> memref<100xi32, #tpu.memory_space<vmem>>
        %dma_wait3A_214 = arith.constant 0 : i32
        %dma_wait3A_215 = arith.constant 0 : i32
        %dma_wait3A_216 = tpu.memref_slice %arg11[%dma_wait3A_214, %dma_wait3A_215] : memref<10000x128xf32, #tpu.memory_space<vmem_shared>> -> memref<10000x128xf32, #tpu.memory_space<vmem_shared>>
        tpu.wait_indirect_dma semaphore(%arg16 : memref<!tpu.dma_semaphore, #tpu.memory_space<semaphore_mem>>) src(%arg9 : memref<100x128xf32, #tpu.memory_space<vmem>>) dst(%dma_wait3A_216 : memref<10000x128xf32, #tpu.memory_space<vmem_shared>>)
        %add3A_217 = arith.constant 2 : i32
        %add3A_218 = arith.addi %add3A_180, %add3A_217 : i32
        %dma_start3A_219 = arith.constant 0 : i32
        %dma_start3A_220 = tpu.memref_slice %arg6[%add3A_218, %dma_start3A_219] : memref<50x100xi32, #tpu.memory_space<vmem>> -> memref<1x100xi32, #tpu.memory_space<vmem>>
        %dma_start3A_221 = tpu.memref_squeeze %dma_start3A_220 : memref<1x100xi32, #tpu.memory_space<vmem>> -> memref<100xi32, #tpu.memory_space<vmem>>
        %dma_start3A_222 = arith.constant 0 : i32
        %dma_start3A_223 = arith.constant 0 : i32
        %dma_start3A_224 = tpu.memref_slice %arg2[%dma_start3A_222, %dma_start3A_223] : memref<10000x128xf32, #tpu.memory_space<hbm>> -> memref<10000x128xf32, #tpu.memory_space<hbm>>
        tpu.enqueue_indirect_dma source(%dma_start3A_224 : memref<10000x128xf32, #tpu.memory_space<hbm>>) target(%arg9 : memref<100x128xf32, #tpu.memory_space<vmem>>) offsets(%dma_start3A_221 : memref<100xi32, #tpu.memory_space<vmem>>) semaphore(%arg14 : memref<!tpu.dma_semaphore, #tpu.memory_space<semaphore_mem>>)
      } else {
      }
    }
    %scan3A_62 = arith.constant 25 : i32
    %dma_wait3A = arith.constant 48 : i32
    %dma_wait3A_63 = arith.constant 0 : i32
    %dma_wait3A_64 = tpu.memref_slice %arg7[%dma_wait3A, %dma_wait3A_63] : memref<50x100xi32, #tpu.memory_space<vmem>> -> memref<1x100xi32, #tpu.memory_space<vmem>>
    %dma_wait3A_65 = tpu.memref_squeeze %dma_wait3A_64 : memref<1x100xi32, #tpu.memory_space<vmem>> -> memref<100xi32, #tpu.memory_space<vmem>>
    %dma_wait3A_66 = arith.constant 0 : i32
    %dma_wait3A_67 = arith.constant 0 : i32
    %dma_wait3A_68 = tpu.memref_slice %arg11[%dma_wait3A_66, %dma_wait3A_67] : memref<10000x128xf32, #tpu.memory_space<vmem_shared>> -> memref<10000x128xf32, #tpu.memory_space<vmem_shared>>
    tpu.wait_indirect_dma semaphore(%arg15 : memref<!tpu.dma_semaphore, #tpu.memory_space<semaphore_mem>>) src(%arg8 : memref<100x128xf32, #tpu.memory_space<vmem>>) dst(%dma_wait3A_68 : memref<10000x128xf32, #tpu.memory_space<vmem_shared>>)
    %dma_wait3A_69 = arith.constant 48 : i32
    %dma_wait3A_70 = arith.constant 0 : i32
    %dma_wait3A_71 = tpu.memref_slice %arg7[%dma_wait3A_69, %dma_wait3A_70] : memref<50x100xi32, #tpu.memory_space<vmem>> -> memref<1x100xi32, #tpu.memory_space<vmem>>
    %dma_wait3A_72 = tpu.memref_squeeze %dma_wait3A_71 : memref<1x100xi32, #tpu.memory_space<vmem>> -> memref<100xi32, #tpu.memory_space<vmem>>
    %dma_wait3A_73 = arith.constant 0 : i32
    %dma_wait3A_74 = arith.constant 0 : i32
    %dma_wait3A_75 = tpu.memref_slice %arg12[%dma_wait3A_73, %dma_wait3A_74] : memref<10000x16xf32, #tpu.memory_space<vmem_shared>> -> memref<10000x16xf32, #tpu.memory_space<vmem_shared>>
    tpu.wait_indirect_dma semaphore(%arg17 : memref<!tpu.dma_semaphore, #tpu.memory_space<semaphore_mem>>) src(%arg10 : memref<100x16xf32, #tpu.memory_space<vmem>>) dst(%dma_wait3A_75 : memref<10000x16xf32, #tpu.memory_space<vmem_shared>>)
    %dma_wait3A_76 = arith.constant 49 : i32
    %dma_wait3A_77 = arith.constant 0 : i32
    %dma_wait3A_78 = tpu.memref_slice %arg7[%dma_wait3A_76, %dma_wait3A_77] : memref<50x100xi32, #tpu.memory_space<vmem>> -> memref<1x100xi32, #tpu.memory_space<vmem>>
    %dma_wait3A_79 = tpu.memref_squeeze %dma_wait3A_78 : memref<1x100xi32, #tpu.memory_space<vmem>> -> memref<100xi32, #tpu.memory_space<vmem>>
    %dma_wait3A_80 = arith.constant 0 : i32
    %dma_wait3A_81 = arith.constant 0 : i32
    %dma_wait3A_82 = tpu.memref_slice %arg11[%dma_wait3A_80, %dma_wait3A_81] : memref<10000x128xf32, #tpu.memory_space<vmem_shared>> -> memref<10000x128xf32, #tpu.memory_space<vmem_shared>>
    tpu.wait_indirect_dma semaphore(%arg16 : memref<!tpu.dma_semaphore, #tpu.memory_space<semaphore_mem>>) src(%arg9 : memref<100x128xf32, #tpu.memory_space<vmem>>) dst(%dma_wait3A_82 : memref<10000x128xf32, #tpu.memory_space<vmem_shared>>)
    %dma_wait3A_83 = arith.constant 49 : i32
    %dma_wait3A_84 = arith.constant 0 : i32
    %dma_wait3A_85 = tpu.memref_slice %arg7[%dma_wait3A_83, %dma_wait3A_84] : memref<50x100xi32, #tpu.memory_space<vmem>> -> memref<1x100xi32, #tpu.memory_space<vmem>>
    %dma_wait3A_86 = tpu.memref_squeeze %dma_wait3A_85 : memref<1x100xi32, #tpu.memory_space<vmem>> -> memref<100xi32, #tpu.memory_space<vmem>>
    %dma_wait3A_87 = arith.constant 0 : i32
    %dma_wait3A_88 = arith.constant 0 : i32
    %dma_wait3A_89 = tpu.memref_slice %arg12[%dma_wait3A_87, %dma_wait3A_88] : memref<10000x16xf32, #tpu.memory_space<vmem_shared>> -> memref<10000x16xf32, #tpu.memory_space<vmem_shared>>
    tpu.wait_indirect_dma semaphore(%arg18 : memref<!tpu.dma_semaphore, #tpu.memory_space<semaphore_mem>>) src(%arg10 : memref<100x16xf32, #tpu.memory_space<vmem>>) dst(%dma_wait3A_89 : memref<10000x16xf32, #tpu.memory_space<vmem_shared>>)
    "tpu.region"() ({
      %run_scoped3A = tpu.sem_alloc : memref<!tpu.dma_semaphore, #tpu.memory_space<semaphore_mem>>
      %dma_start3A_144 = arith.constant 50 : i32
      %dma_start3A_145 = arith.constant 0 : i32
      %dma_start3A_146 = tpu.memref_slice %arg3[%add3A, %dma_start3A_144, %dma_start3A_145] : memref<64x100x100xi32, #tpu.memory_space<hbm>> -> memref<1x50x100xi32, #tpu.memory_space<hbm>>
      %dma_start3A_147 = tpu.memref_squeeze %dma_start3A_146 : memref<1x50x100xi32, #tpu.memory_space<hbm>> -> memref<50x100xi32, #tpu.memory_space<hbm>>
      %dma_start3A_148 = arith.constant 50 : i32
      %dma_start3A_149 = arith.constant 0 : i32
      %dma_start3A_150 = tpu.memref_slice %arg3[%add3A, %dma_start3A_148, %dma_start3A_149] : memref<64x100x100xi32, #tpu.memory_space<hbm>> -> memref<1x50x100xi32, #tpu.memory_space<hbm>>
      %dma_start3A_151 = tpu.memref_squeeze %dma_start3A_150 : memref<1x50x100xi32, #tpu.memory_space<hbm>> -> memref<50x100xi32, #tpu.memory_space<hbm>>
      tpu.enqueue_dma source(%dma_start3A_151 : memref<50x100xi32, #tpu.memory_space<hbm>>) target(%arg6 : memref<50x100xi32, #tpu.memory_space<vmem>>) target_semaphore(%run_scoped3A : memref<!tpu.dma_semaphore, #tpu.memory_space<semaphore_mem>>)
      %dma_wait3A_152 = arith.constant 50 : i32
      %dma_wait3A_153 = arith.constant 0 : i32
      %dma_wait3A_154 = tpu.memref_slice %arg3[%add3A, %dma_wait3A_152, %dma_wait3A_153] : memref<64x100x100xi32, #tpu.memory_space<hbm>> -> memref<1x50x100xi32, #tpu.memory_space<hbm>>
      %dma_wait3A_155 = tpu.memref_squeeze %dma_wait3A_154 : memref<1x50x100xi32, #tpu.memory_space<hbm>> -> memref<50x100xi32, #tpu.memory_space<hbm>>
      %dma_wait3A_156 = arith.constant 50 : i32
      %dma_wait3A_157 = arith.constant 0 : i32
      %dma_wait3A_158 = tpu.memref_slice %arg3[%add3A, %dma_wait3A_156, %dma_wait3A_157] : memref<64x100x100xi32, #tpu.memory_space<hbm>> -> memref<1x50x100xi32, #tpu.memory_space<hbm>>
      %dma_wait3A_159 = tpu.memref_squeeze %dma_wait3A_158 : memref<1x50x100xi32, #tpu.memory_space<hbm>> -> memref<50x100xi32, #tpu.memory_space<hbm>>
      tpu.wait_dma2 semaphore(%run_scoped3A : memref<!tpu.dma_semaphore, #tpu.memory_space<semaphore_mem>>) src(%dma_wait3A_159 : memref<50x100xi32, #tpu.memory_space<hbm>>) dst(%arg6 : memref<50x100xi32, #tpu.memory_space<vmem>>)
      tpu.yield
    }) : () -> ()
    %add3A_90 = arith.constant 32 : i32
    %add3A_91 = arith.addi %add3A_90, %add3A : i32
    "tpu.region"() ({
      %run_scoped3A = tpu.sem_alloc : memref<!tpu.dma_semaphore, #tpu.memory_space<semaphore_mem>>
      %dma_start3A_144 = arith.constant 50 : i32
      %dma_start3A_145 = arith.constant 0 : i32
      %dma_start3A_146 = tpu.memref_slice %arg3[%add3A_91, %dma_start3A_144, %dma_start3A_145] : memref<64x100x100xi32, #tpu.memory_space<hbm>> -> memref<1x50x100xi32, #tpu.memory_space<hbm>>
      %dma_start3A_147 = tpu.memref_squeeze %dma_start3A_146 : memref<1x50x100xi32, #tpu.memory_space<hbm>> -> memref<50x100xi32, #tpu.memory_space<hbm>>
      %dma_start3A_148 = arith.constant 50 : i32
      %dma_start3A_149 = arith.constant 0 : i32
      %dma_start3A_150 = tpu.memref_slice %arg3[%add3A_91, %dma_start3A_148, %dma_start3A_149] : memref<64x100x100xi32, #tpu.memory_space<hbm>> -> memref<1x50x100xi32, #tpu.memory_space<hbm>>
      %dma_start3A_151 = tpu.memref_squeeze %dma_start3A_150 : memref<1x50x100xi32, #tpu.memory_space<hbm>> -> memref<50x100xi32, #tpu.memory_space<hbm>>
      tpu.enqueue_dma source(%dma_start3A_151 : memref<50x100xi32, #tpu.memory_space<hbm>>) target(%arg7 : memref<50x100xi32, #tpu.memory_space<vmem>>) target_semaphore(%run_scoped3A : memref<!tpu.dma_semaphore, #tpu.memory_space<semaphore_mem>>)
      %dma_wait3A_152 = arith.constant 50 : i32
      %dma_wait3A_153 = arith.constant 0 : i32
      %dma_wait3A_154 = tpu.memref_slice %arg3[%add3A_91, %dma_wait3A_152, %dma_wait3A_153] : memref<64x100x100xi32, #tpu.memory_space<hbm>> -> memref<1x50x100xi32, #tpu.memory_space<hbm>>
      %dma_wait3A_155 = tpu.memref_squeeze %dma_wait3A_154 : memref<1x50x100xi32, #tpu.memory_space<hbm>> -> memref<50x100xi32, #tpu.memory_space<hbm>>
      %dma_wait3A_156 = arith.constant 50 : i32
      %dma_wait3A_157 = arith.constant 0 : i32
      %dma_wait3A_158 = tpu.memref_slice %arg3[%add3A_91, %dma_wait3A_156, %dma_wait3A_157] : memref<64x100x100xi32, #tpu.memory_space<hbm>> -> memref<1x50x100xi32, #tpu.memory_space<hbm>>
      %dma_wait3A_159 = tpu.memref_squeeze %dma_wait3A_158 : memref<1x50x100xi32, #tpu.memory_space<hbm>> -> memref<50x100xi32, #tpu.memory_space<hbm>>
      tpu.wait_dma2 semaphore(%run_scoped3A : memref<!tpu.dma_semaphore, #tpu.memory_space<semaphore_mem>>) src(%dma_wait3A_159 : memref<50x100xi32, #tpu.memory_space<hbm>>) dst(%arg7 : memref<50x100xi32, #tpu.memory_space<vmem>>)
      tpu.yield
    }) : () -> ()
    %dma_start3A_92 = arith.constant 0 : i32
    %dma_start3A_93 = arith.constant 0 : i32
    %dma_start3A_94 = tpu.memref_slice %arg6[%dma_start3A_92, %dma_start3A_93] : memref<50x100xi32, #tpu.memory_space<vmem>> -> memref<1x100xi32, #tpu.memory_space<vmem>>
    %dma_start3A_95 = tpu.memref_squeeze %dma_start3A_94 : memref<1x100xi32, #tpu.memory_space<vmem>> -> memref<100xi32, #tpu.memory_space<vmem>>
    %dma_start3A_96 = arith.constant 0 : i32
    %dma_start3A_97 = arith.constant 0 : i32
    %dma_start3A_98 = tpu.memref_slice %arg2[%dma_start3A_96, %dma_start3A_97] : memref<10000x128xf32, #tpu.memory_space<hbm>> -> memref<10000x128xf32, #tpu.memory_space<hbm>>
    tpu.enqueue_indirect_dma source(%dma_start3A_98 : memref<10000x128xf32, #tpu.memory_space<hbm>>) target(%arg8 : memref<100x128xf32, #tpu.memory_space<vmem>>) offsets(%dma_start3A_95 : memref<100xi32, #tpu.memory_space<vmem>>) semaphore(%arg13 : memref<!tpu.dma_semaphore, #tpu.memory_space<semaphore_mem>>)
    %dma_start3A_99 = arith.constant 1 : i32
    %dma_start3A_100 = arith.constant 0 : i32
    %dma_start3A_101 = tpu.memref_slice %arg6[%dma_start3A_99, %dma_start3A_100] : memref<50x100xi32, #tpu.memory_space<vmem>> -> memref<1x100xi32, #tpu.memory_space<vmem>>
    %dma_start3A_102 = tpu.memref_squeeze %dma_start3A_101 : memref<1x100xi32, #tpu.memory_space<vmem>> -> memref<100xi32, #tpu.memory_space<vmem>>
    %dma_start3A_103 = arith.constant 0 : i32
    %dma_start3A_104 = arith.constant 0 : i32
    %dma_start3A_105 = tpu.memref_slice %arg2[%dma_start3A_103, %dma_start3A_104] : memref<10000x128xf32, #tpu.memory_space<hbm>> -> memref<10000x128xf32, #tpu.memory_space<hbm>>
    tpu.enqueue_indirect_dma source(%dma_start3A_105 : memref<10000x128xf32, #tpu.memory_space<hbm>>) target(%arg9 : memref<100x128xf32, #tpu.memory_space<vmem>>) offsets(%dma_start3A_102 : memref<100xi32, #tpu.memory_space<vmem>>) semaphore(%arg14 : memref<!tpu.dma_semaphore, #tpu.memory_space<semaphore_mem>>)
    %scan3A_106 = arith.constant 0 : i32
    %scan3A_107 = arith.constant 25 : i32
    %scan3A_108 = arith.addi %scan3A_106, %scan3A_107 : i32
    %scan3A_109 = arith.constant 1 : i32
    scf.for %scan3A_144 = %scan3A_106 to %scan3A_108 step %scan3A_109  : i32 {
      %mul3A_145 = arith.constant 2 : i32
      %mul3A_146 = arith.muli %mul3A_145, %scan3A_144 : i32
      %add3A_147 = arith.constant 0 : i32
      %add3A_148 = arith.addi %mul3A_146, %add3A_147 : i32
      %dma_wait3A_149 = arith.constant 0 : i32
      %dma_wait3A_150 = tpu.memref_slice %arg6[%add3A_148, %dma_wait3A_149] : memref<50x100xi32, #tpu.memory_space<vmem>> -> memref<1x100xi32, #tpu.memory_space<vmem>>
      %dma_wait3A_151 = tpu.memref_squeeze %dma_wait3A_150 : memref<1x100xi32, #tpu.memory_space<vmem>> -> memref<100xi32, #tpu.memory_space<vmem>>
      %dma_wait3A_152 = arith.constant 0 : i32
      %dma_wait3A_153 = arith.constant 0 : i32
      %dma_wait3A_154 = tpu.memref_slice %arg2[%dma_wait3A_152, %dma_wait3A_153] : memref<10000x128xf32, #tpu.memory_space<hbm>> -> memref<10000x128xf32, #tpu.memory_space<hbm>>
      tpu.wait_indirect_dma semaphore(%arg13 : memref<!tpu.dma_semaphore, #tpu.memory_space<semaphore_mem>>) src(%dma_wait3A_154 : memref<10000x128xf32, #tpu.memory_space<hbm>>) dst(%arg8 : memref<100x128xf32, #tpu.memory_space<vmem>>)
      %dma_start3A_155 = arith.constant 0 : i32
      %dma_start3A_156 = tpu.memref_slice %arg7[%add3A_148, %dma_start3A_155] : memref<50x100xi32, #tpu.memory_space<vmem>> -> memref<1x100xi32, #tpu.memory_space<vmem>>
      %dma_start3A_157 = tpu.memref_squeeze %dma_start3A_156 : memref<1x100xi32, #tpu.memory_space<vmem>> -> memref<100xi32, #tpu.memory_space<vmem>>
      %dma_start3A_158 = arith.constant 0 : i32
      %dma_start3A_159 = arith.constant 0 : i32
      %dma_start3A_160 = tpu.memref_slice %arg11[%dma_start3A_158, %dma_start3A_159] : memref<10000x128xf32, #tpu.memory_space<vmem_shared>> -> memref<10000x128xf32, #tpu.memory_space<vmem_shared>>
      tpu.enqueue_indirect_dma source(%arg8 : memref<100x128xf32, #tpu.memory_space<vmem>>) target(%dma_start3A_160 : memref<10000x128xf32, #tpu.memory_space<vmem_shared>>) offsets(%dma_start3A_157 : memref<100xi32, #tpu.memory_space<vmem>>) semaphore(%arg15 : memref<!tpu.dma_semaphore, #tpu.memory_space<semaphore_mem>>) {add = true}
      %dma_start3A_161 = arith.constant 0 : i32
      %dma_start3A_162 = tpu.memref_slice %arg7[%add3A_148, %dma_start3A_161] : memref<50x100xi32, #tpu.memory_space<vmem>> -> memref<1x100xi32, #tpu.memory_space<vmem>>
      %dma_start3A_163 = tpu.memref_squeeze %dma_start3A_162 : memref<1x100xi32, #tpu.memory_space<vmem>> -> memref<100xi32, #tpu.memory_space<vmem>>
      %dma_start3A_164 = arith.constant 0 : i32
      %dma_start3A_165 = arith.constant 0 : i32
      %dma_start3A_166 = tpu.memref_slice %arg12[%dma_start3A_164, %dma_start3A_165] : memref<10000x16xf32, #tpu.memory_space<vmem_shared>> -> memref<10000x16xf32, #tpu.memory_space<vmem_shared>>
      tpu.enqueue_indirect_dma source(%arg10 : memref<100x16xf32, #tpu.memory_space<vmem>>) target(%dma_start3A_166 : memref<10000x16xf32, #tpu.memory_space<vmem_shared>>) offsets(%dma_start3A_163 : memref<100xi32, #tpu.memory_space<vmem>>) semaphore(%arg17 : memref<!tpu.dma_semaphore, #tpu.memory_space<semaphore_mem>>) {add = true}
      %ge3A = arith.constant 2 : i32
      %ge3A_167 = arith.cmpi sge, %add3A_148, %ge3A : i32
      %convert_element_type3A_168 = arith.extui %ge3A_167 : i1 to i32
      %cond3A_169 = arith.constant 0 : i32
      %cond3A_170 = arith.cmpi ne, %convert_element_type3A_168, %cond3A_169 : i32
      scf.if %cond3A_170 {
        %sub3A = arith.constant 2 : i32
        %sub3A_211 = arith.subi %add3A_148, %sub3A : i32
        %dma_wait3A_212 = arith.constant 0 : i32
        %dma_wait3A_213 = tpu.memref_slice %arg7[%sub3A_211, %dma_wait3A_212] : memref<50x100xi32, #tpu.memory_space<vmem>> -> memref<1x100xi32, #tpu.memory_space<vmem>>
        %dma_wait3A_214 = tpu.memref_squeeze %dma_wait3A_213 : memref<1x100xi32, #tpu.memory_space<vmem>> -> memref<100xi32, #tpu.memory_space<vmem>>
        %dma_wait3A_215 = arith.constant 0 : i32
        %dma_wait3A_216 = arith.constant 0 : i32
        %dma_wait3A_217 = tpu.memref_slice %arg12[%dma_wait3A_215, %dma_wait3A_216] : memref<10000x16xf32, #tpu.memory_space<vmem_shared>> -> memref<10000x16xf32, #tpu.memory_space<vmem_shared>>
        tpu.wait_indirect_dma semaphore(%arg17 : memref<!tpu.dma_semaphore, #tpu.memory_space<semaphore_mem>>) src(%arg10 : memref<100x16xf32, #tpu.memory_space<vmem>>) dst(%dma_wait3A_217 : memref<10000x16xf32, #tpu.memory_space<vmem_shared>>)
      } else {
      }
      %add3A_171 = arith.constant 2 : i32
      %add3A_172 = arith.addi %add3A_148, %add3A_171 : i32
      %lt3A = arith.constant 50 : i32
      %lt3A_173 = arith.cmpi slt, %add3A_172, %lt3A : i32
      %convert_element_type3A_174 = arith.extui %lt3A_173 : i1 to i32
      %cond3A_175 = arith.constant 0 : i32
      %cond3A_176 = arith.cmpi ne, %convert_element_type3A_174, %cond3A_175 : i32
      scf.if %cond3A_176 {
        %dma_wait3A_211 = arith.constant 0 : i32
        %dma_wait3A_212 = tpu.memref_slice %arg7[%add3A_148, %dma_wait3A_211] : memref<50x100xi32, #tpu.memory_space<vmem>> -> memref<1x100xi32, #tpu.memory_space<vmem>>
        %dma_wait3A_213 = tpu.memref_squeeze %dma_wait3A_212 : memref<1x100xi32, #tpu.memory_space<vmem>> -> memref<100xi32, #tpu.memory_space<vmem>>
        %dma_wait3A_214 = arith.constant 0 : i32
        %dma_wait3A_215 = arith.constant 0 : i32
        %dma_wait3A_216 = tpu.memref_slice %arg11[%dma_wait3A_214, %dma_wait3A_215] : memref<10000x128xf32, #tpu.memory_space<vmem_shared>> -> memref<10000x128xf32, #tpu.memory_space<vmem_shared>>
        tpu.wait_indirect_dma semaphore(%arg15 : memref<!tpu.dma_semaphore, #tpu.memory_space<semaphore_mem>>) src(%arg8 : memref<100x128xf32, #tpu.memory_space<vmem>>) dst(%dma_wait3A_216 : memref<10000x128xf32, #tpu.memory_space<vmem_shared>>)
        %add3A_217 = arith.constant 2 : i32
        %add3A_218 = arith.addi %add3A_148, %add3A_217 : i32
        %dma_start3A_219 = arith.constant 0 : i32
        %dma_start3A_220 = tpu.memref_slice %arg6[%add3A_218, %dma_start3A_219] : memref<50x100xi32, #tpu.memory_space<vmem>> -> memref<1x100xi32, #tpu.memory_space<vmem>>
        %dma_start3A_221 = tpu.memref_squeeze %dma_start3A_220 : memref<1x100xi32, #tpu.memory_space<vmem>> -> memref<100xi32, #tpu.memory_space<vmem>>
        %dma_start3A_222 = arith.constant 0 : i32
        %dma_start3A_223 = arith.constant 0 : i32
        %dma_start3A_224 = tpu.memref_slice %arg2[%dma_start3A_222, %dma_start3A_223] : memref<10000x128xf32, #tpu.memory_space<hbm>> -> memref<10000x128xf32, #tpu.memory_space<hbm>>
        tpu.enqueue_indirect_dma source(%dma_start3A_224 : memref<10000x128xf32, #tpu.memory_space<hbm>>) target(%arg8 : memref<100x128xf32, #tpu.memory_space<vmem>>) offsets(%dma_start3A_221 : memref<100xi32, #tpu.memory_space<vmem>>) semaphore(%arg13 : memref<!tpu.dma_semaphore, #tpu.memory_space<semaphore_mem>>)
      } else {
      }
      %mul3A_177 = arith.constant 2 : i32
      %mul3A_178 = arith.muli %mul3A_177, %scan3A_144 : i32
      %add3A_179 = arith.constant 1 : i32
      %add3A_180 = arith.addi %mul3A_178, %add3A_179 : i32
      %dma_wait3A_181 = arith.constant 0 : i32
      %dma_wait3A_182 = tpu.memref_slice %arg6[%add3A_180, %dma_wait3A_181] : memref<50x100xi32, #tpu.memory_space<vmem>> -> memref<1x100xi32, #tpu.memory_space<vmem>>
      %dma_wait3A_183 = tpu.memref_squeeze %dma_wait3A_182 : memref<1x100xi32, #tpu.memory_space<vmem>> -> memref<100xi32, #tpu.memory_space<vmem>>
      %dma_wait3A_184 = arith.constant 0 : i32
      %dma_wait3A_185 = arith.constant 0 : i32
      %dma_wait3A_186 = tpu.memref_slice %arg2[%dma_wait3A_184, %dma_wait3A_185] : memref<10000x128xf32, #tpu.memory_space<hbm>> -> memref<10000x128xf32, #tpu.memory_space<hbm>>
      tpu.wait_indirect_dma semaphore(%arg14 : memref<!tpu.dma_semaphore, #tpu.memory_space<semaphore_mem>>) src(%dma_wait3A_186 : memref<10000x128xf32, #tpu.memory_space<hbm>>) dst(%arg9 : memref<100x128xf32, #tpu.memory_space<vmem>>)
      %dma_start3A_187 = arith.constant 0 : i32
      %dma_start3A_188 = tpu.memref_slice %arg7[%add3A_180, %dma_start3A_187] : memref<50x100xi32, #tpu.memory_space<vmem>> -> memref<1x100xi32, #tpu.memory_space<vmem>>
      %dma_start3A_189 = tpu.memref_squeeze %dma_start3A_188 : memref<1x100xi32, #tpu.memory_space<vmem>> -> memref<100xi32, #tpu.memory_space<vmem>>
      %dma_start3A_190 = arith.constant 0 : i32
      %dma_start3A_191 = arith.constant 0 : i32
      %dma_start3A_192 = tpu.memref_slice %arg11[%dma_start3A_190, %dma_start3A_191] : memref<10000x128xf32, #tpu.memory_space<vmem_shared>> -> memref<10000x128xf32, #tpu.memory_space<vmem_shared>>
      tpu.enqueue_indirect_dma source(%arg9 : memref<100x128xf32, #tpu.memory_space<vmem>>) target(%dma_start3A_192 : memref<10000x128xf32, #tpu.memory_space<vmem_shared>>) offsets(%dma_start3A_189 : memref<100xi32, #tpu.memory_space<vmem>>) semaphore(%arg16 : memref<!tpu.dma_semaphore, #tpu.memory_space<semaphore_mem>>) {add = true}
      %dma_start3A_193 = arith.constant 0 : i32
      %dma_start3A_194 = tpu.memref_slice %arg7[%add3A_180, %dma_start3A_193] : memref<50x100xi32, #tpu.memory_space<vmem>> -> memref<1x100xi32, #tpu.memory_space<vmem>>
      %dma_start3A_195 = tpu.memref_squeeze %dma_start3A_194 : memref<1x100xi32, #tpu.memory_space<vmem>> -> memref<100xi32, #tpu.memory_space<vmem>>
      %dma_start3A_196 = arith.constant 0 : i32
      %dma_start3A_197 = arith.constant 0 : i32
      %dma_start3A_198 = tpu.memref_slice %arg12[%dma_start3A_196, %dma_start3A_197] : memref<10000x16xf32, #tpu.memory_space<vmem_shared>> -> memref<10000x16xf32, #tpu.memory_space<vmem_shared>>
      tpu.enqueue_indirect_dma source(%arg10 : memref<100x16xf32, #tpu.memory_space<vmem>>) target(%dma_start3A_198 : memref<10000x16xf32, #tpu.memory_space<vmem_shared>>) offsets(%dma_start3A_195 : memref<100xi32, #tpu.memory_space<vmem>>) semaphore(%arg18 : memref<!tpu.dma_semaphore, #tpu.memory_space<semaphore_mem>>) {add = true}
      %ge3A_199 = arith.constant 2 : i32
      %ge3A_200 = arith.cmpi sge, %add3A_180, %ge3A_199 : i32
      %convert_element_type3A_201 = arith.extui %ge3A_200 : i1 to i32
      %cond3A_202 = arith.constant 0 : i32
      %cond3A_203 = arith.cmpi ne, %convert_element_type3A_201, %cond3A_202 : i32
      scf.if %cond3A_203 {
        %sub3A = arith.constant 2 : i32
        %sub3A_211 = arith.subi %add3A_180, %sub3A : i32
        %dma_wait3A_212 = arith.constant 0 : i32
        %dma_wait3A_213 = tpu.memref_slice %arg7[%sub3A_211, %dma_wait3A_212] : memref<50x100xi32, #tpu.memory_space<vmem>> -> memref<1x100xi32, #tpu.memory_space<vmem>>
        %dma_wait3A_214 = tpu.memref_squeeze %dma_wait3A_213 : memref<1x100xi32, #tpu.memory_space<vmem>> -> memref<100xi32, #tpu.memory_space<vmem>>
        %dma_wait3A_215 = arith.constant 0 : i32
        %dma_wait3A_216 = arith.constant 0 : i32
        %dma_wait3A_217 = tpu.memref_slice %arg12[%dma_wait3A_215, %dma_wait3A_216] : memref<10000x16xf32, #tpu.memory_space<vmem_shared>> -> memref<10000x16xf32, #tpu.memory_space<vmem_shared>>
        tpu.wait_indirect_dma semaphore(%arg18 : memref<!tpu.dma_semaphore, #tpu.memory_space<semaphore_mem>>) src(%arg10 : memref<100x16xf32, #tpu.memory_space<vmem>>) dst(%dma_wait3A_217 : memref<10000x16xf32, #tpu.memory_space<vmem_shared>>)
      } else {
      }
      %add3A_204 = arith.constant 2 : i32
      %add3A_205 = arith.addi %add3A_180, %add3A_204 : i32
      %lt3A_206 = arith.constant 50 : i32
      %lt3A_207 = arith.cmpi slt, %add3A_205, %lt3A_206 : i32
      %convert_element_type3A_208 = arith.extui %lt3A_207 : i1 to i32
      %cond3A_209 = arith.constant 0 : i32
      %cond3A_210 = arith.cmpi ne, %convert_element_type3A_208, %cond3A_209 : i32
      scf.if %cond3A_210 {
        %dma_wait3A_211 = arith.constant 0 : i32
        %dma_wait3A_212 = tpu.memref_slice %arg7[%add3A_180, %dma_wait3A_211] : memref<50x100xi32, #tpu.memory_space<vmem>> -> memref<1x100xi32, #tpu.memory_space<vmem>>
        %dma_wait3A_213 = tpu.memref_squeeze %dma_wait3A_212 : memref<1x100xi32, #tpu.memory_space<vmem>> -> memref<100xi32, #tpu.memory_space<vmem>>
        %dma_wait3A_214 = arith.constant 0 : i32
        %dma_wait3A_215 = arith.constant 0 : i32
        %dma_wait3A_216 = tpu.memref_slice %arg11[%dma_wait3A_214, %dma_wait3A_215] : memref<10000x128xf32, #tpu.memory_space<vmem_shared>> -> memref<10000x128xf32, #tpu.memory_space<vmem_shared>>
        tpu.wait_indirect_dma semaphore(%arg16 : memref<!tpu.dma_semaphore, #tpu.memory_space<semaphore_mem>>) src(%arg9 : memref<100x128xf32, #tpu.memory_space<vmem>>) dst(%dma_wait3A_216 : memref<10000x128xf32, #tpu.memory_space<vmem_shared>>)
        %add3A_217 = arith.constant 2 : i32
        %add3A_218 = arith.addi %add3A_180, %add3A_217 : i32
        %dma_start3A_219 = arith.constant 0 : i32
        %dma_start3A_220 = tpu.memref_slice %arg6[%add3A_218, %dma_start3A_219] : memref<50x100xi32, #tpu.memory_space<vmem>> -> memref<1x100xi32, #tpu.memory_space<vmem>>
        %dma_start3A_221 = tpu.memref_squeeze %dma_start3A_220 : memref<1x100xi32, #tpu.memory_space<vmem>> -> memref<100xi32, #tpu.memory_space<vmem>>
        %dma_start3A_222 = arith.constant 0 : i32
        %dma_start3A_223 = arith.constant 0 : i32
        %dma_start3A_224 = tpu.memref_slice %arg2[%dma_start3A_222, %dma_start3A_223] : memref<10000x128xf32, #tpu.memory_space<hbm>> -> memref<10000x128xf32, #tpu.memory_space<hbm>>
        tpu.enqueue_indirect_dma source(%dma_start3A_224 : memref<10000x128xf32, #tpu.memory_space<hbm>>) target(%arg9 : memref<100x128xf32, #tpu.memory_space<vmem>>) offsets(%dma_start3A_221 : memref<100xi32, #tpu.memory_space<vmem>>) semaphore(%arg14 : memref<!tpu.dma_semaphore, #tpu.memory_space<semaphore_mem>>)
      } else {
      }
    }
    %scan3A_110 = arith.constant 25 : i32
    %dma_wait3A_111 = arith.constant 48 : i32
    %dma_wait3A_112 = arith.constant 0 : i32
    %dma_wait3A_113 = tpu.memref_slice %arg7[%dma_wait3A_111, %dma_wait3A_112] : memref<50x100xi32, #tpu.memory_space<vmem>> -> memref<1x100xi32, #tpu.memory_space<vmem>>
    %dma_wait3A_114 = tpu.memref_squeeze %dma_wait3A_113 : memref<1x100xi32, #tpu.memory_space<vmem>> -> memref<100xi32, #tpu.memory_space<vmem>>
    %dma_wait3A_115 = arith.constant 0 : i32
    %dma_wait3A_116 = arith.constant 0 : i32
    %dma_wait3A_117 = tpu.memref_slice %arg11[%dma_wait3A_115, %dma_wait3A_116] : memref<10000x128xf32, #tpu.memory_space<vmem_shared>> -> memref<10000x128xf32, #tpu.memory_space<vmem_shared>>
    tpu.wait_indirect_dma semaphore(%arg15 : memref<!tpu.dma_semaphore, #tpu.memory_space<semaphore_mem>>) src(%arg8 : memref<100x128xf32, #tpu.memory_space<vmem>>) dst(%dma_wait3A_117 : memref<10000x128xf32, #tpu.memory_space<vmem_shared>>)
    %dma_wait3A_118 = arith.constant 48 : i32
    %dma_wait3A_119 = arith.constant 0 : i32
    %dma_wait3A_120 = tpu.memref_slice %arg7[%dma_wait3A_118, %dma_wait3A_119] : memref<50x100xi32, #tpu.memory_space<vmem>> -> memref<1x100xi32, #tpu.memory_space<vmem>>
    %dma_wait3A_121 = tpu.memref_squeeze %dma_wait3A_120 : memref<1x100xi32, #tpu.memory_space<vmem>> -> memref<100xi32, #tpu.memory_space<vmem>>
    %dma_wait3A_122 = arith.constant 0 : i32
    %dma_wait3A_123 = arith.constant 0 : i32
    %dma_wait3A_124 = tpu.memref_slice %arg12[%dma_wait3A_122, %dma_wait3A_123] : memref<10000x16xf32, #tpu.memory_space<vmem_shared>> -> memref<10000x16xf32, #tpu.memory_space<vmem_shared>>
    tpu.wait_indirect_dma semaphore(%arg17 : memref<!tpu.dma_semaphore, #tpu.memory_space<semaphore_mem>>) src(%arg10 : memref<100x16xf32, #tpu.memory_space<vmem>>) dst(%dma_wait3A_124 : memref<10000x16xf32, #tpu.memory_space<vmem_shared>>)
    %dma_wait3A_125 = arith.constant 49 : i32
    %dma_wait3A_126 = arith.constant 0 : i32
    %dma_wait3A_127 = tpu.memref_slice %arg7[%dma_wait3A_125, %dma_wait3A_126] : memref<50x100xi32, #tpu.memory_space<vmem>> -> memref<1x100xi32, #tpu.memory_space<vmem>>
    %dma_wait3A_128 = tpu.memref_squeeze %dma_wait3A_127 : memref<1x100xi32, #tpu.memory_space<vmem>> -> memref<100xi32, #tpu.memory_space<vmem>>
    %dma_wait3A_129 = arith.constant 0 : i32
    %dma_wait3A_130 = arith.constant 0 : i32
    %dma_wait3A_131 = tpu.memref_slice %arg11[%dma_wait3A_129, %dma_wait3A_130] : memref<10000x128xf32, #tpu.memory_space<vmem_shared>> -> memref<10000x128xf32, #tpu.memory_space<vmem_shared>>
    tpu.wait_indirect_dma semaphore(%arg16 : memref<!tpu.dma_semaphore, #tpu.memory_space<semaphore_mem>>) src(%arg9 : memref<100x128xf32, #tpu.memory_space<vmem>>) dst(%dma_wait3A_131 : memref<10000x128xf32, #tpu.memory_space<vmem_shared>>)
    %dma_wait3A_132 = arith.constant 49 : i32
    %dma_wait3A_133 = arith.constant 0 : i32
    %dma_wait3A_134 = tpu.memref_slice %arg7[%dma_wait3A_132, %dma_wait3A_133] : memref<50x100xi32, #tpu.memory_space<vmem>> -> memref<1x100xi32, #tpu.memory_space<vmem>>
    %dma_wait3A_135 = tpu.memref_squeeze %dma_wait3A_134 : memref<1x100xi32, #tpu.memory_space<vmem>> -> memref<100xi32, #tpu.memory_space<vmem>>
    %dma_wait3A_136 = arith.constant 0 : i32
    %dma_wait3A_137 = arith.constant 0 : i32
    %dma_wait3A_138 = tpu.memref_slice %arg12[%dma_wait3A_136, %dma_wait3A_137] : memref<10000x16xf32, #tpu.memory_space<vmem_shared>> -> memref<10000x16xf32, #tpu.memory_space<vmem_shared>>
    tpu.wait_indirect_dma semaphore(%arg18 : memref<!tpu.dma_semaphore, #tpu.memory_space<semaphore_mem>>) src(%arg10 : memref<100x16xf32, #tpu.memory_space<vmem>>) dst(%dma_wait3A_138 : memref<10000x16xf32, #tpu.memory_space<vmem_shared>>)
    %barrier3A_139 = arith.constant 0 : index
    tpu.barrier barrier_id(%barrier3A_139)
    %mul3A_140 = arith.constant 624 : i32
    %mul3A_141 = arith.muli %arg1, %mul3A_140 : i32
    "tpu.region"() ({
      %run_scoped3A = tpu.sem_alloc : memref<!tpu.dma_semaphore, #tpu.memory_space<semaphore_mem>>
      %dma_start3A_144 = arith.constant 0 : i32
      %dma_start3A_145 = tpu.memref_slice %arg4[%arg0, %mul3A_141, %dma_start3A_144] : memref<2x10000x128xf32, #tpu.memory_space<hbm>> -> memref<1x624x128xf32, #tpu.memory_space<hbm>>
      %dma_start3A_146 = tpu.memref_squeeze %dma_start3A_145 : memref<1x624x128xf32, #tpu.memory_space<hbm>> -> memref<624x128xf32, #tpu.memory_space<hbm>>
      %dma_start3A_147 = arith.constant 0 : i32
      %dma_start3A_148 = tpu.memref_slice %arg11[%mul3A_141, %dma_start3A_147] : memref<10000x128xf32, #tpu.memory_space<vmem_shared>> -> memref<624x128xf32, #tpu.memory_space<vmem_shared>>
      tpu.enqueue_dma source(%dma_start3A_148 : memref<624x128xf32, #tpu.memory_space<vmem_shared>>) target(%dma_start3A_146 : memref<624x128xf32, #tpu.memory_space<hbm>>) target_semaphore(%run_scoped3A : memref<!tpu.dma_semaphore, #tpu.memory_space<semaphore_mem>>)
      %dma_wait3A_149 = arith.constant 0 : i32
      %dma_wait3A_150 = tpu.memref_slice %arg4[%arg0, %mul3A_141, %dma_wait3A_149] : memref<2x10000x128xf32, #tpu.memory_space<hbm>> -> memref<1x624x128xf32, #tpu.memory_space<hbm>>
      %dma_wait3A_151 = tpu.memref_squeeze %dma_wait3A_150 : memref<1x624x128xf32, #tpu.memory_space<hbm>> -> memref<624x128xf32, #tpu.memory_space<hbm>>
      %dma_wait3A_152 = arith.constant 0 : i32
      %dma_wait3A_153 = tpu.memref_slice %arg11[%mul3A_141, %dma_wait3A_152] : memref<10000x128xf32, #tpu.memory_space<vmem_shared>> -> memref<624x128xf32, #tpu.memory_space<vmem_shared>>
      tpu.wait_dma2 semaphore(%run_scoped3A : memref<!tpu.dma_semaphore, #tpu.memory_space<semaphore_mem>>) src(%dma_wait3A_153 : memref<624x128xf32, #tpu.memory_space<vmem_shared>>) dst(%dma_wait3A_151 : memref<624x128xf32, #tpu.memory_space<hbm>>)
      tpu.yield
    }) : () -> ()
    "tpu.region"() ({
      %run_scoped3A = tpu.sem_alloc : memref<!tpu.dma_semaphore, #tpu.memory_space<semaphore_mem>>
      %dma_start3A_144 = arith.constant 0 : i32
      %dma_start3A_145 = tpu.memref_slice %arg5[%arg0, %mul3A_141, %dma_start3A_144] : memref<2x10000x16xf32, #tpu.memory_space<hbm>> -> memref<1x624x16xf32, #tpu.memory_space<hbm>>
      %dma_start3A_146 = tpu.memref_squeeze %dma_start3A_145 : memref<1x624x16xf32, #tpu.memory_space<hbm>> -> memref<624x16xf32, #tpu.memory_space<hbm>>
      %dma_start3A_147 = arith.constant 0 : i32
      %dma_start3A_148 = tpu.memref_slice %arg12[%mul3A_141, %dma_start3A_147] : memref<10000x16xf32, #tpu.memory_space<vmem_shared>> -> memref<624x16xf32, #tpu.memory_space<vmem_shared>>
      tpu.enqueue_dma source(%dma_start3A_148 : memref<624x16xf32, #tpu.memory_space<vmem_shared>>) target(%dma_start3A_146 : memref<624x16xf32, #tpu.memory_space<hbm>>) target_semaphore(%run_scoped3A : memref<!tpu.dma_semaphore, #tpu.memory_space<semaphore_mem>>)
      %dma_wait3A_149 = arith.constant 0 : i32
      %dma_wait3A_150 = tpu.memref_slice %arg5[%arg0, %mul3A_141, %dma_wait3A_149] : memref<2x10000x16xf32, #tpu.memory_space<hbm>> -> memref<1x624x16xf32, #tpu.memory_space<hbm>>
      %dma_wait3A_151 = tpu.memref_squeeze %dma_wait3A_150 : memref<1x624x16xf32, #tpu.memory_space<hbm>> -> memref<624x16xf32, #tpu.memory_space<hbm>>
      %dma_wait3A_152 = arith.constant 0 : i32
      %dma_wait3A_153 = tpu.memref_slice %arg12[%mul3A_141, %dma_wait3A_152] : memref<10000x16xf32, #tpu.memory_space<vmem_shared>> -> memref<624x16xf32, #tpu.memory_space<vmem_shared>>
      tpu.wait_dma2 semaphore(%run_scoped3A : memref<!tpu.dma_semaphore, #tpu.memory_space<semaphore_mem>>) src(%dma_wait3A_153 : memref<624x16xf32, #tpu.memory_space<vmem_shared>>) dst(%dma_wait3A_151 : memref<624x16xf32, #tpu.memory_space<hbm>>)
      tpu.yield
    }) : () -> ()
    %eq3A = arith.constant 15 : i32
    %eq3A_142 = arith.cmpi eq, %arg1, %eq3A : i32
    %convert_element_type3A = arith.extui %eq3A_142 : i1 to i32
    %cond3A = arith.constant 0 : i32
    %cond3A_143 = arith.cmpi ne, %convert_element_type3A, %cond3A : i32
    scf.if %cond3A_143 {
      "tpu.region"() ({
        %run_scoped3A = tpu.sem_alloc : memref<!tpu.dma_semaphore, #tpu.memory_space<semaphore_mem>>
        %dma_start3A_144 = arith.constant 9984 : i32
        %dma_start3A_145 = arith.constant 0 : i32
        %dma_start3A_146 = tpu.memref_slice %arg4[%arg0, %dma_start3A_144, %dma_start3A_145] : memref<2x10000x128xf32, #tpu.memory_space<hbm>> -> memref<1x16x128xf32, #tpu.memory_space<hbm>>
        %dma_start3A_147 = tpu.memref_squeeze %dma_start3A_146 : memref<1x16x128xf32, #tpu.memory_space<hbm>> -> memref<16x128xf32, #tpu.memory_space<hbm>>
        %dma_start3A_148 = arith.constant 9984 : i32
        %dma_start3A_149 = arith.constant 0 : i32
        %dma_start3A_150 = tpu.memref_slice %arg11[%dma_start3A_148, %dma_start3A_149] : memref<10000x128xf32, #tpu.memory_space<vmem_shared>> -> memref<16x128xf32, #tpu.memory_space<vmem_shared>>
        tpu.enqueue_dma source(%dma_start3A_150 : memref<16x128xf32, #tpu.memory_space<vmem_shared>>) target(%dma_start3A_147 : memref<16x128xf32, #tpu.memory_space<hbm>>) target_semaphore(%run_scoped3A : memref<!tpu.dma_semaphore, #tpu.memory_space<semaphore_mem>>)
        %dma_wait3A_151 = arith.constant 9984 : i32
        %dma_wait3A_152 = arith.constant 0 : i32
        %dma_wait3A_153 = tpu.memref_slice %arg4[%arg0, %dma_wait3A_151, %dma_wait3A_152] : memref<2x10000x128xf32, #tpu.memory_space<hbm>> -> memref<1x16x128xf32, #tpu.memory_space<hbm>>
        %dma_wait3A_154 = tpu.memref_squeeze %dma_wait3A_153 : memref<1x16x128xf32, #tpu.memory_space<hbm>> -> memref<16x128xf32, #tpu.memory_space<hbm>>
        %dma_wait3A_155 = arith.constant 9984 : i32
        %dma_wait3A_156 = arith.constant 0 : i32
        %dma_wait3A_157 = tpu.memref_slice %arg11[%dma_wait3A_155, %dma_wait3A_156] : memref<10000x128xf32, #tpu.memory_space<vmem_shared>> -> memref<16x128xf32, #tpu.memory_space<vmem_shared>>
        tpu.wait_dma2 semaphore(%run_scoped3A : memref<!tpu.dma_semaphore, #tpu.memory_space<semaphore_mem>>) src(%dma_wait3A_157 : memref<16x128xf32, #tpu.memory_space<vmem_shared>>) dst(%dma_wait3A_154 : memref<16x128xf32, #tpu.memory_space<hbm>>)
        tpu.yield
      }) : () -> ()
      "tpu.region"() ({
        %run_scoped3A = tpu.sem_alloc : memref<!tpu.dma_semaphore, #tpu.memory_space<semaphore_mem>>
        %dma_start3A_144 = arith.constant 9984 : i32
        %dma_start3A_145 = arith.constant 0 : i32
        %dma_start3A_146 = tpu.memref_slice %arg5[%arg0, %dma_start3A_144, %dma_start3A_145] : memref<2x10000x16xf32, #tpu.memory_space<hbm>> -> memref<1x16x16xf32, #tpu.memory_space<hbm>>
        %dma_start3A_147 = tpu.memref_squeeze %dma_start3A_146 : memref<1x16x16xf32, #tpu.memory_space<hbm>> -> memref<16x16xf32, #tpu.memory_space<hbm>>
        %dma_start3A_148 = arith.constant 9984 : i32
        %dma_start3A_149 = arith.constant 0 : i32
        %dma_start3A_150 = tpu.memref_slice %arg12[%dma_start3A_148, %dma_start3A_149] : memref<10000x16xf32, #tpu.memory_space<vmem_shared>> -> memref<16x16xf32, #tpu.memory_space<vmem_shared>>
        tpu.enqueue_dma source(%dma_start3A_150 : memref<16x16xf32, #tpu.memory_space<vmem_shared>>) target(%dma_start3A_147 : memref<16x16xf32, #tpu.memory_space<hbm>>) target_semaphore(%run_scoped3A : memref<!tpu.dma_semaphore, #tpu.memory_space<semaphore_mem>>)
        %dma_wait3A_151 = arith.constant 9984 : i32
        %dma_wait3A_152 = arith.constant 0 : i32
        %dma_wait3A_153 = tpu.memref_slice %arg5[%arg0, %dma_wait3A_151, %dma_wait3A_152] : memref<2x10000x16xf32, #tpu.memory_space<hbm>> -> memref<1x16x16xf32, #tpu.memory_space<hbm>>
        %dma_wait3A_154 = tpu.memref_squeeze %dma_wait3A_153 : memref<1x16x16xf32, #tpu.memory_space<hbm>> -> memref<16x16xf32, #tpu.memory_space<hbm>>
        %dma_wait3A_155 = arith.constant 9984 : i32
        %dma_wait3A_156 = arith.constant 0 : i32
        %dma_wait3A_157 = tpu.memref_slice %arg12[%dma_wait3A_155, %dma_wait3A_156] : memref<10000x16xf32, #tpu.memory_space<vmem_shared>> -> memref<16x16xf32, #tpu.memory_space<vmem_shared>>
        tpu.wait_dma2 semaphore(%run_scoped3A : memref<!tpu.dma_semaphore, #tpu.memory_space<semaphore_mem>>) src(%dma_wait3A_157 : memref<16x16xf32, #tpu.memory_space<vmem_shared>>) dst(%dma_wait3A_154 : memref<16x16xf32, #tpu.memory_space<hbm>>)
        tpu.yield
      }) : () -> ()
    } else {
    }
    return
  }
}

module attributes {stable_mosaic.version = 14 : i64} {
  func.func @sage_tc_combine(%arg0: i32, %arg1: memref<1000x128xf32, #tpu.memory_space<vmem>>, %arg2: memref<128x256xf32, #tpu.memory_space<vmem>>, %arg3: memref<2x1000x128xf32, #tpu.memory_space<vmem>>, %arg4: memref<2x1000x16xf32, #tpu.memory_space<vmem>>, %arg5: memref<1000x128xf32, #tpu.memory_space<vmem>>) attributes {dimension_semantics = [#tpu.dimension_semantics<arbitrary>], iteration_bounds = array<i64: 10>, scalar_prefetch = 0 : i64, scratch_operands = 0 : i64, tpu.core_type = #tpu.core_type<tc>, window_params = [{transform_indices = @transform_0, window_bounds = array<i64: 1000, 128>}, {pipeline_mode = #tpu.pipeline_mode<synchronous>, transform_indices = @transform_1, window_bounds = array<i64: 128, 256>}, {transform_indices = @transform_2, window_bounds = array<i64: 2, 1000, 128>}, {transform_indices = @transform_3, window_bounds = array<i64: 2, 1000, 16>}, {transform_indices = @transform_4, window_bounds = array<i64: 1000, 128>}]} {
    %get3A = arith.constant 0 : index
    %get3A_0 = arith.constant 0 : index
    %get3A_1 = arith.constant 0 : index
    %get3A_2 = vector.load %arg4[%get3A, %get3A_0, %get3A_1] : memref<2x1000x16xf32, #tpu.memory_space<vmem>>, vector<1x1000x1xf32>
    %get3A_3 = vector.shape_cast %get3A_2 : vector<1x1000x1xf32> to vector<1000x1xf32>
    %get3A_4 = arith.constant 1 : index
    %get3A_5 = arith.constant 0 : index
    %get3A_6 = arith.constant 0 : index
    %get3A_7 = vector.load %arg4[%get3A_4, %get3A_5, %get3A_6] : memref<2x1000x16xf32, #tpu.memory_space<vmem>>, vector<1x1000x1xf32>
    %get3A_8 = vector.shape_cast %get3A_7 : vector<1x1000x1xf32> to vector<1000x1xf32>
    %add3A = arith.addf %get3A_3, %get3A_8 : vector<1000x1xf32>
    %get3A_9 = arith.constant 0 : index
    %get3A_10 = arith.constant 0 : index
    %get3A_11 = arith.constant 0 : index
    %get3A_12 = vector.load %arg3[%get3A_9, %get3A_10, %get3A_11] : memref<2x1000x128xf32, #tpu.memory_space<vmem>>, vector<1x1000x128xf32>
    %get3A_13 = vector.shape_cast %get3A_12 : vector<1x1000x128xf32> to vector<1000x128xf32>
    %get3A_14 = arith.constant 1 : index
    %get3A_15 = arith.constant 0 : index
    %get3A_16 = arith.constant 0 : index
    %get3A_17 = vector.load %arg3[%get3A_14, %get3A_15, %get3A_16] : memref<2x1000x128xf32, #tpu.memory_space<vmem>>, vector<1x1000x128xf32>
    %get3A_18 = vector.shape_cast %get3A_17 : vector<1x1000x128xf32> to vector<1000x128xf32>
    %add3A_19 = arith.addf %get3A_13, %get3A_18 : vector<1000x128xf32>
    %max3A = arith.constant 1.000000e+00 : f32
    %max3A_20 = vector.broadcast %max3A : f32 to vector<1000x1xf32>
    %max3A_21 = arith.maximumf %add3A, %max3A_20 : vector<1000x1xf32>
    %div3A = vector.broadcast %max3A_21 : vector<1000x1xf32> to vector<1000x128xf32>
    %div3A_22 = arith.divf %add3A_19, %div3A : vector<1000x128xf32>
    %get3A_23 = arith.constant 0 : index
    %get3A_24 = arith.constant 0 : index
    %get3A_25 = vector.load %arg1[%get3A_23, %get3A_24] : memref<1000x128xf32, #tpu.memory_space<vmem>>, vector<1000x128xf32>
    %get3A_26 = arith.constant 0 : index
    %get3A_27 = arith.constant 0 : index
    %get3A_28 = vector.load %arg2[%get3A_26, %get3A_27] : memref<128x256xf32, #tpu.memory_space<vmem>>, vector<128x128xf32>
    %dot_general3A = arith.constant dense<0.000000e+00> : vector<1000x128xf32>
    %dot_general3A_29 = tpu.matmul %get3A_25, %get3A_28, %dot_general3A {dimension_numbers = #tpu.dot_dimension_numbers<[1], [1], [0], [0], [0, 0, 1, 0], [], []>, transpose_lhs_hint = false} : vector<1000x128xf32>, vector<128x128xf32>, vector<1000x128xf32> -> vector<1000x128xf32>
    %get3A_30 = arith.constant 0 : index
    %get3A_31 = arith.constant 128 : index
    %get3A_32 = vector.load %arg2[%get3A_30, %get3A_31] : memref<128x256xf32, #tpu.memory_space<vmem>>, vector<128x128xf32>
    %dot_general3A_33 = arith.constant dense<0.000000e+00> : vector<1000x128xf32>
    %dot_general3A_34 = tpu.matmul %div3A_22, %get3A_32, %dot_general3A_33 {dimension_numbers = #tpu.dot_dimension_numbers<[1], [1], [0], [0], [0, 0, 1, 0], [], []>, transpose_lhs_hint = false} : vector<1000x128xf32>, vector<128x128xf32>, vector<1000x128xf32> -> vector<1000x128xf32>
    %add3A_35 = arith.addf %dot_general3A_29, %dot_general3A_34 : vector<1000x128xf32>
    %swap3A = arith.constant 0 : index
    %swap3A_36 = arith.constant 0 : index
    %swap3A_37 = vector.load %arg5[%swap3A, %swap3A_36] : memref<1000x128xf32, #tpu.memory_space<vmem>>, vector<1000x128xf32>
    tpu.vector_store %arg5[%swap3A, %swap3A_36], %add3A_35 {strides = array<i32>} : memref<1000x128xf32, #tpu.memory_space<vmem>>, vector<1000x128xf32>,
    return
  }
  func.func @transform_0(%arg0: i32) -> (i32, i32) {
    %c0_i32 = arith.constant 0 : i32
    %c0_i32_0 = arith.constant 0 : i32
    return %arg0, %c0_i32 : i32, i32
  }
  func.func @transform_1(%arg0: i32) -> (i32, i32) {
    %c0_i32 = arith.constant 0 : i32
    %c0_i32_0 = arith.constant 0 : i32
    %c0_i32_1 = arith.constant 0 : i32
    return %c0_i32, %c0_i32_0 : i32, i32
  }
  func.func @transform_2(%arg0: i32) -> (i32, i32, i32) {
    %c0_i32 = arith.constant 0 : i32
    %c0_i32_0 = arith.constant 0 : i32
    %c0_i32_1 = arith.constant 0 : i32
    return %c0_i32, %arg0, %c0_i32_0 : i32, i32, i32
  }
  func.func @transform_3(%arg0: i32) -> (i32, i32, i32) {
    %c0_i32 = arith.constant 0 : i32
    %c0_i32_0 = arith.constant 0 : i32
    %c0_i32_1 = arith.constant 0 : i32
    return %c0_i32, %arg0, %c0_i32_0 : i32, i32, i32
  }
  func.func @transform_4(%arg0: i32) -> (i32, i32) {
    %c0_i32 = arith.constant 0 : i32
    %c0_i32_0 = arith.constant 0 : i32
    return %arg0, %c0_i32 : i32, i32
  }
}

</mosaic_0001>

<sc_bundles>
// kernel: sage_sc_aggregate.3.cloned.1.call-start
scs
__scs_entry_jumppad:
0x0: {  	(pc) =	sbr.rel $0x88, $3  }
0x1: {  	(tag) =	ssettag $0x0;
	lr =	simm.s32 $0x1  }
0x2: {  	[smem:$0x3F9E] =	sst lr;
	_ =	strace $0xD0000000  }
0x3: {  	_ = 	snop  }
0x4: {  	_ = 	snop  }
0x5: {  	_ = 	snop  }
0x6: {  	_ = 	snop  }
0x7: {  	_ = 	snop  }
__scs_overlays_trampoline_lowered:
0x8: {  	[smem:$0x3FAD] =	sst s0  }
0x9: {  	[smem:$0x3FAE] =	sst s1  }
0xa: {  	[smem:$0x3FAF] =	sst s2  }
0xb: {  	[smem:$0x3FB0] =	sst s3  }
0xc: {  	[smem:$0x3FB1] =	sst s4  }
0xd: {  	[smem:$0x3FB2] =	sst s5  }
0xe: {  	[smem:$0x3FB3] =	sst s6  }
0xf: {  	[smem:$0x3FB4] =	sst s7  }
0x10: {  	[smem:$0x3FB5] =	sst s8  }
0x11: {  	[smem:$0x3FB6] =	sst s9;
	s0 =	simm.s32 @!p0 $0x0  }
0x12: {  	s1 =	sld [smem:$0x3F9C];
	s0 =	simm.s32 @p0 $0x1  }
0x13: {  	[smem:$0x3FB7] =	sst s0;
	s0 =	simm.s32 @!p1 $0x0  }
0x14: {  	s2 =	sld [smem:$0x3F9B];
	s0 =	simm.s32 @p1 $0x1  }
0x15: {  	[smem:$0x3FB8] =	sst s0;
	s0 =	simm.s32 @!p2 $0x0  }
0x16: {  	s3 =	sld [smem:$0x3FDB];
	s0 =	simm.s32 @p2 $0x1  }
0x17: {  	s4 =	simm.s32 $0x1BF5;
	[smem:$0x3FBA] =	sst s0  }
0x18: {  	s0 =	sld [smem:$0x3F9D];
	_ =	swait.ge [sflag:s4], $0x0  }
0x19: {  	s7 =	sld [smem:$0x3F9E]  }
0x1a: {  	s8 =	sadd.s32 $0xFFFFE003, lr  }
0x1b: {  	s9 =	sadd.s32 $0xFFFFFEF7, lr;
	s5 =	simm.s32 $0xFFFFFFFF;
	p2 =	slt.u32 s8, $0xFFFFF086  }
0x1c: {  	p1 =	slt.u32 s9, $0xF7A;
	s5 =	simm.s32 @!p2 $0x0  }
0x1d: {  	s5 =	simm.s32 @p1 $0x1;
	p0 =	seq.s32 s7, s2  }
0x1e: {  	s7 =	smul.u32 @!p0 $0xF7A, s2;
	p2 =	seq.s32 @!p0 s5, $0x0  }
0x1f: {  	s9 =	smul.u32 $0xF7A, s1;
	s8 =	simm.s32 @!p0 $0x1BF5;
	p2 =	por !p2, p0  }
0x20: {  	[sflag:s8] =	ssyncset.s32 @!p0 $0xFFFFF086;
	s6 =	sadd.s32 @!p0 s3, s7;
	s7 =	simm.s32 @!p0 $0x108  }
0x21: {  	s3 =	sadd.s32 s3, s9;
	s6 =	sadd.s32 @!p0 $0x88, s6;
	s7 =	simm.s32 @p2 $0x1082  }
0x22: {  	[simem:s7], [sflag:s8] =	dma.local @!p0 [hbm:s6], $0xF7A  }
0x23: {  	s9 =	sor.u32 $0xD0000000, s2;
	s6 =	simm.s32 $0x108;
	_ =	swait.ge @!p0 [sflag:s8], $0x0  }
0x24: {  	s3 =	sadd.s32 $0x88, s3;
	s6 =	simm.s32 @!p1 $0x1082;
	[sflag:s4] =	ssyncset.s32 $0xFFFFF086  }
0x25: {  	[simem:s6], [sflag:s4] =	dma.local [hbm:s3], $0xF7A  }
0x26: {  	[smem:$0x3F9E] =	sst s1;
	(tag) =	ssettag s2;
	_ =	strace s9  }
0x27: {  	s1 =	sld [smem:$0x3FAE]  }
0x28: {  	s2 =	sld [smem:$0x3FAF]  }
0x29: {  	s4 =	sld [smem:$0x3FB1]  }
0x2a: {  	p0 =	seq.s32 s5, $0x0;
	s5 =	sld [smem:$0x3FB2]  }
0x2b: {  	s6 =	sld [smem:$0x3FB3]  }
0x2c: {  	s7 =	sld [smem:$0x3FB4]  }
0x2d: {  	s3 =	simm.s32 $0x108;
	s8 =	sld [smem:$0x3FB5]  }
0x2e: {  	s3 =	simm.s32 @!p0 $0x1082;
	s9 =	sld [smem:$0x3FB6]  }
0x2f: {  	lr =	sadd.s32 s0, s3;
	s0 =	sld [smem:$0x3FAD]  }
0x30: {  	s3 =	sld [smem:$0x3FB0]  }
0x31: {  	[smem:$0x3FB9] =	sst s10  }
0x32: {  	s10 =	sld [smem:$0x3FB7];
	_ =	sdelay $0x3  }
0x33: {  	p0 =	seq.s32 s10, $0x1;
	s10 =	sld [smem:$0x3FB9];
	_ =	sdelay $0x3  }
0x34: {  	[smem:$0x3FB9] =	sst s10  }
0x35: {  	s10 =	sld [smem:$0x3FB8];
	_ =	sdelay $0x3  }
0x36: {  	p1 =	seq.s32 s10, $0x1;
	s10 =	sld [smem:$0x3FB9];
	_ =	sdelay $0x3  }
0x37: {  	[smem:$0x3FB9] =	sst s10  }
0x38: {  	s10 =	sld [smem:$0x3FBA]  }
0x39: {  	_ = 	snop;
	(pc) =	sbr.ind lr, $3  }
0x3a: {  	_ = 	snop  }
0x3b: {  	_ = 	snop  }
0x3c: {  	p2 =	seq.s32 s10, $0x1;
	s10 =	sld [smem:$0x3FB9]  }
0x3d: {  	_ =	shalt  }
0x3e: {  	_ =	shalt  }
0x3f: {  	_ =	shalt  }
0x40: {  	_ =	shalt  }
0x41: {  	_ =	shalt  }
0x42: {  	_ =	shalt  }
0x43: {  	_ =	shalt  }
0x44: {  	_ =	shalt  }
0x45: {  	_ =	shalt  }
0x46: {  	_ =	shalt  }
0x47: {  	_ =	shalt  }
0x48: {  	_ =	shalt  }
0x49: {  	_ =	shalt  }
0x4a: {  	_ =	shalt  }
0x4b: {  	_ =	shalt  }
0x4c: {  	_ =	shalt  }
0x4d: {  	_ =	shalt  }
0x4e: {  	_ =	shalt  }
0x4f: {  	_ =	shalt  }
0x50: {  	_ =	shalt  }
0x51: {  	_ =	shalt  }
0x52: {  	_ =	shalt  }
0x53: {  	_ =	shalt  }
0x54: {  	_ =	shalt  }
0x55: {  	_ =	shalt  }
0x56: {  	_ =	shalt  }
0x57: {  	_ =	shalt  }
0x58: {  	_ =	shalt  }
0x59: {  	_ =	shalt  }
0x5a: {  	_ =	shalt  }
0x5b: {  	_ =	shalt  }
0x5c: {  	_ =	shalt  }
0x5d: {  	_ =	shalt  }
0x5e: {  	_ =	shalt  }
0x5f: {  	_ =	shalt  }
0x60: {  	_ =	shalt  }
0x61: {  	_ =	shalt  }
0x62: {  	_ =	shalt  }
0x63: {  	_ =	shalt  }
0x64: {  	_ =	shalt  }
0x65: {  	_ =	shalt  }
0x66: {  	_ =	shalt  }
0x67: {  	_ =	shalt  }
0x68: {  	_ =	shalt  }
0x69: {  	_ =	shalt  }
0x6a: {  	_ =	shalt  }
0x6b: {  	_ =	shalt  }
0x6c: {  	_ =	shalt  }
0x6d: {  	_ =	shalt  }
0x6e: {  	_ =	shalt  }
0x6f: {  	_ =	shalt  }
0x70: {  	_ =	shalt  }
0x71: {  	_ =	shalt  }
0x72: {  	_ =	shalt  }
0x73: {  	_ =	shalt  }
0x74: {  	_ =	shalt  }
0x75: {  	_ =	shalt  }
0x76: {  	_ =	shalt  }
0x77: {  	_ =	shalt  }
0x78: {  	_ =	shalt  }
0x79: {  	_ =	shalt  }
0x7a: {  	_ =	shalt  }
0x7b: {  	_ =	shalt  }
0x7c: {  	_ =	shalt  }
0x7d: {  	_ =	shalt  }
0x7e: {  	_ =	shalt  }
0x7f: {  	_ =	shalt  }
0x80: {  	_ =	shalt  }
0x81: {  	_ =	shalt  }
0x82: {  	_ =	shalt  }
0x83: {  	_ =	shalt  }
0x84: {  	_ =	shalt  }
0x85: {  	_ =	shalt  }
0x86: {  	_ =	shalt  }
0x87: {  	_ =	shalt  }
.Lfunc_end0:
.L_simem_size_0:
called_computation_lowered:
.L_overlay_start_0:
0x88: {  	s2 =	sld [smem:$0x3FD9]  }
0x89: {  	s3 =	sld [smem:$0x3FFE];
	_ =	sdelay $0x1  }
0x8a: {  	s1 =	srdreg.scid  }
0x8b: {  	s0 =	sand.u32 $0x1, s1  }
0x8c: {  	s17 =	sshll.u32 s0, $0xA;
	s2 =	sadd.s32 s3, s2  }
0x8d: {  	s2 =	sadd.s32 s2, s17  }
0x8e: {  	[smem:$0x3FC5] =	sst s2  }
0x8f: {  	_ = 	snop  }
0x90: {  	s2 =	sld [smem:$0x3FC9]  }
0x91: {  	s18 =	sld [smem:$0x3FD0];
	(tm) =	ssettm $0x1  }
0x92: {  	s4 =	sld [smem:$0x3FFB];
	_ =	sdelay $0x3  }
0x93: {  	_ =	strace s4  }
0x94: {  	s4 =	sld [smem:$0x3FFC];
	_ =	sdelay $0x3  }
0x95: {  	_ =	strace s4  }
0x96: {  	s4 =	sld [smem:$0x3FFD];
	_ =	sdelay $0x3  }
0x97: {  	_ =	strace s4  }
0x98: {  	_ =	strace $0x8FFFFFFF  }
0x99: {  	s19 =	sld [smem:$0x3FDB];
	_ =	sdelay $0x1  }
0x9a: {  	s5 =	simm.s32 $_scs_section_size  }
0x9b: {  	s6 =	simm.s32 $_size__tile_overlayer_lowered;
	s7 =	simm.s32 $_tile_overlayer_lowered  }
0x9c: {  	s22 =	simm.s32 $0x1BFF;
	s21 =	sshll.u32 s7, $0x1;
	s4 =	sadd.s32 s5, s19  }
0x9d: {  	s8 =	simm.s32 $0x0;
	s20 =	sshll.u32 s6, $0x1;
	s6 =	sadd.s32 s21, s4  }
0x9e: {  	[timem:s8], [sflag:s22] =	dma.local [hbm:s6], s20  }
0x9f: {  	_ =	swait.ge [sflag:s22], s20  }
0xa0: {  	s5 =	ssub.s32 $0x0, s20;
	[sflag:s22] =	ssyncset.done $0x0  }
0xa1: {  	[sflag:s22] =	ssyncadd.s32 s5;
	_ =	sdelay $0x1  }
0xa2: {  	s23 =	simm.s32 $0x1B8B  }
0xa3: {  	_ =	swait.ge [sflag:s23], $0x1  }
0xa4: {  	[sflag:s23] =	ssyncset.done $0x0  }
0xa5: {  	s25 =	simm.s32 $0x1B8E;
	s24 =	sld [smem:$0x3FFE];
	[sflag:s23] =	ssyncadd.s32 $0xFFFFFFFF  }
0xa6: {  	s26 =	simm.s32 $execute0_lowered;
	[smem:$0x3FD2] =	sst s25  }
0xa7: {  	s6 =	sshll.u32 s26, $0x1;
	_ =	strace $0x80000046;
	[dreg:$0x1] =	wrdreg $0xFFFFFFFF  }
0xa8: {  	s28 =	simm.s32 $_size_execute0_lowered;
	s4 =	sadd.s32 s4, s6;
	[dreg:$0x0] =	wrdreg $0x0  }
0xa9: {  	s6 =	sshll.u32 s28, $0x1;
	[dreg:$0x2] =	wrdreg s4  }
0xaa: {  	[dreg:$0x3] =	wrdreg s6  }
0xab: {  	[dreg:$0x4] =	wrdreg $0xC0  }
0xac: {  	_ =	task [dreg:s8], $0x5FFFF  }
0xad: {  	[dreg:$0x1] =	wrdreg $0xFFFFFFFF  }
0xae: {  	[dreg:$0x0] =	wrdreg $0x60  }
0xaf: {  	[dreg:$0x2] =	wrdreg s2  }
0xb0: {  	[dreg:$0x3] =	wrdreg s18  }
0xb1: {  	[dreg:$0x4] =	wrdreg s24  }
0xb2: {  	[dreg:$0x5] =	wrdreg $0x92E00  }
0xb3: {  	[dreg:$0x6] =	wrdreg $0x1CB600  }
0xb4: {  	[dreg:$0x7] =	wrdreg $0x9  }
0xb5: {  	_ =	task.clear_ibuf [dreg:s8], $0x8FFFF;
	_ =	strace $0x90000046  }
0xb6: {  	s29 =	simm.s32 $0x9;
	_ =	strace $0x80000048  }
0xb7: {  	_ =	swait.ge [sflag:s29], $0x1  }
0xb8: {  	[sflag:s29] =	ssyncadd.s32 $0xFFFFFFFF  }
0xb9: {  	_ =	strace $0x90000048  }
0xba: {  	_ =	sfence  }
0xbb: {  	s30 =	sld [smem:$0x0];
	_ =	sdelay $0x2  }
0xbc: {  	s31 =	sshll.u32 s1, $0xD;
	s1 =	sshrl.u32 s1, $0x2  }
0xbd: {  	s3 =	sand.u32 $0x4000, s31;
	s1 =	sadd.s32 s1, s30  }
0xbe: {  	s0 =	sor.u32 s3, s0;
	s1 =	sshll.u32 s1, $0x11  }
0xbf: {  	s0 =	sor.u32 s1, s0  }
0xc0: {  	s0 =	sadd.s32 $0x8F2B, s0  }
0xc1: {  	[sflag:s0] =	ssyncadd.remote.s32 $0x1  }
0xc2: {  	_ =	sfence.sel $0xFFFF  }
0xc3: {  	[dreg:$0x0] =	wrdreg $0xFFFFFFFF;
	(pc) =	sbr.abs _section_cstart, $3  }
0xc4: {  	[dreg:$0x1] =	wrdreg $0xFFFFFFFF  }
0xc5: {  	_ =	task.clear_ibuf [dreg:s8], $0x2FFFF;
	_ =	strace $0x9FFFFFFF  }
0xc6: {  	(tm) =	ssettm $0x7FFFFFFF  }
0xc7: {  	_ =	shalt  }
tec
execute0_lowered:
.L_overlay_start_1:
0x0: {  	(tag) =	ssettag $0x1  }
0x1: {  	s1 =	rddreg [dreg:$0x0]  }
0x2: {  	s0 =	rddreg [dreg:$0x1]  }
0x3: {  	s4 =	rddreg [dreg:$0x2];
	s14 =	stileid.u32  }
0x4: {  	s2 =	rddreg [dreg:$0x3];
	s9 =	smul.u32 $0x4E200, s14  }
0x5: {  	s5 =	simm.s32 $0x0;
	s6 =	srdreg.scid;
	s11 =	smul.u32 $0x9C40, s14  }
0x6: {  	[smem:$0x7FF] =	sst s5;
	s12 =	smul.u32 $0x271, s14  }
0x7: {  	s6 =	sand.u32 $0x1, s6;
	s7 =	sadd.s32 $0xB200, s4;
	s23 =	smul.u32 $0x13800, s14  }
0x8: {  	s4 =	sadd.s32 $0x1400, s4;
	s25 =	smul.u32 $0x2700, s14;
	p0 =	sne.s32 s14, $0xF  }
0x9: {  	s3 =	rddreg [dreg:$0x4];
	_ =	strace $0x80000047;
	s21 =	smul.u32 $0x138800, s6  }
0xa: {  	s8 =	ssub.s32 $0x2, s6;
	s28 =	sshll.u32 s6, $0x4;
	s6 =	smul.u32 $0x27100, s6  }
0xb: {  	s10 =	sshrl.u32 s8, $0x1;
	s9 =	sshrl.u32 s9, $0x2;
	s11 =	sshrl.u32 s11, $0x2  }
0xc: {  	s13 =	sadd.s32 $0x64, s12;
	s18 =	sadd.s32 $0x12C, s12;
	s22 =	sadd.s32 $0x190, s12  }
0xd: {  	s8 =	ssub.s32 s8, s10;
	s10 =	sor.u32 s14, s28;
	s9 =	sadd.s32 s9, s2  }
0xe: {  	s11 =	sadd.s32 s11, s3;
	s15 =	sshll.u32 s13, $0x7;
	s19 =	sshll.u32 s18, $0x7  }
0xf: {  	s20 =	sshll.u32 s18, $0x4;
	s24 =	sadd.s32 s23, s21;
	[dreg:$0x6] =	wrdreg s9  }
0x10: {  	s28 =	sadd.s32 s25, s6;
	s6 =	sshrl.u32 s6, $0x3;
	[dreg:$0x7] =	wrdreg s11  }
0x11: {  	s9 =	sshll.u32 s13, $0x4;
	s13 =	sadd.s32 $0xC8, s12;
	s11 =	sadd.s32 s15, s2  }
0x12: {  	s10 =	smul.u32 $0x28A0, s10;
	s15 =	sshll.u32 s22, $0x7;
	[dreg:$0x8] =	wrdreg s11  }
0x13: {  	s9 =	sadd.s32 s9, s3;
	s16 =	sshll.u32 s13, $0x7;
	s17 =	sshll.u32 s13, $0x4  }
0x14: {  	s15 =	sadd.s32 s15, s2;
	s11 =	sshrl.u32 s21, $0x3;
	s13 =	simm.s32 $0x1  }
0x15: {  	[dreg:$0x9] =	wrdreg s9;
	s9 =	sadd.s32 s16, s2;
	s10 =	sshrl.u32 s10, $0x3  }
0x16: {  	[dreg:$0xe] =	wrdreg s15;
	s26 =	sadd.s32 s7, s11;
	s11 =	sadd.s32 $0x1F4, s12  }
0x17: {  	[dreg:$0xa] =	wrdreg s9;
	s9 =	sadd.s32 s17, s3;
	s16 =	sadd.s32 s0, s10  }
0x18: {  	s0 =	sshrl.u32 s24, $0x3;
	s17 =	sadd.s32 $0x258, s12;
	s18 =	sshll.u32 s11, $0x7  }
0x19: {  	s10 =	simm.s32 $0x64;
	s12 =	simm.s32 $0x5AA0;
	[dreg:$0xb] =	wrdreg s9  }
0x1a: {  	s9 =	sadd.s32 s19, s2;
	s0 =	sadd.s32 s7, s0;
	s7 =	sshrl.u32 s28, $0x3  }
0x1b: {  	s19 =	sshll.u32 s17, $0x7;
	s21 =	sshll.u32 s17, $0x4;
	s31 =	sadd.s32 $0xA280, s16  }
0x1c: {  	s29 =	smov.u32 s16;
	s17 =	simm.s32 $0x2;
	[dreg:$0xc] =	wrdreg s9  }
0x1d: {  	s9 =	sadd.s32 s20, s3;
	[dreg:$0xf] =	wrdreg s0;
	s7 =	sadd.s32 s4, s7  }
0x1e: {  	s4 =	sadd.s32 s4, s6;
	s6 =	sshll.u32 s11, $0x4;
	s20 =	sadd.s32 s19, s2  }
0x1f: {  	s0 =	sadd.s32 $0x27000, s26;
	s11 =	simm.s32 $0x68;
	[dreg:$0xd] =	wrdreg s9  }
0x20: {  	s19 =	simm.s32 $0x4;
	s9 =	sshll.u32 s22, $0x4;
	[dreg:$0x10] =	wrdreg s7  }
0x21: {  	s6 =	sadd.s32 s6, s3;
	[dreg:$0x14] =	wrdreg s20;
	s22 =	sadd.s32 s23, s2  }
0x22: {  	s23 =	sadd.s32 s25, s3;
	[dreg:$0x16] =	wrdreg s0;
	s24 =	sadd.s32 $0x4E00, s4  }
0x23: {  	s25 =	smax.u32 s8, $0x1;
	s0 =	sadd.s32 $0x138000, s2;
	[dreg:$0x13] =	wrdreg s6  }
0x24: {  	s4 =	sadd.s32 $0xA50A, s16;
	s7 =	simm.s32 $0x7;
	[dreg:$0x17] =	wrdreg s24  }
0x25: {  	s8 =	simm.s32 $0x8CA0;
	s15 =	sadd.s32 s9, s3;
	[dreg:$0x18] =	wrdreg s25  }
0x26: {  	s20 =	simm.s32 $0x138;
	s9 =	sadd.s32 s18, s2;
	[dreg:$0x11] =	wrdreg s15  }
0x27: {  	s6 =	sadd.s32 s21, s3;
	s26 =	sshrl.u32 s22, $0x3;
	[dreg:$0x12] =	wrdreg s9  }
0x28: {  	s28 =	sshrl.u32 s23, $0x3;
	s0 =	sshrl.u32 @!p0 s0, $0x3;
	[dreg:$0x15] =	wrdreg s6  }
.Ltmp0:
0x29: {  	s18 =	simm.s32 $0x14B8;
	[dreg:$0x19] =	wrdreg s26;
	(pc) =	sbr.rel .LBB2_1-.Ltmp0, $4  }
0x2a: {  	s21 =	simm.s32 $0x5;
	s22 =	simm.s32 $0x6;
	[dreg:$0x1a] =	wrdreg s28  }
0x2b: {  	s23 =	simm.s32 $0x0;
	[dreg:$0x1b] =	wrdreg s0;
	s0 =	sadd.s32 $0x27000, s3  }
0x2c: {  	s6 =	simm.s32 $0x28A0;
	s9 =	simm.s32 $0x1450;
	s15 =	simm.s32 $0x3  }
0x2d: {  	v0 =	vimm.f32 $0.0e+00;
	v1 =	vimm.f32 $1.000000000e+00;
	s30 =	sshrl.u32 @!p0 s0, $0x3;
	s0 =	sadd.s32 $0x28A, s16;
	s16 =	simm.s32 $0xD0  }
.LBB2_13:
0x2e: {  	_ =	swait.ge [sflag:s15], $0x3200  }
0x2f: {  	[sflag:s15] =	ssyncset.done $0x0  }
0x30: {  	[sflag:s15] =	ssyncadd.s32 $0xFFFFCE00  }
0x31: {  	_ =	swait.ge [sflag:s21], $0x640  }
0x32: {  	[sflag:s21] =	ssyncset.done $0x0  }
0x33: {  	[sflag:s21] =	ssyncadd.s32 $0xFFFFF9C0  }
0x34: {  	_ =	swait.ge [sflag:s19], $0x3200  }
0x35: {  	[sflag:s19] =	ssyncset.done $0x0  }
0x36: {  	[sflag:s19] =	ssyncadd.s32 $0xFFFFCE00  }
0x37: {  	_ =	swait.ge [sflag:s22], $0x640  }
0x38: {  	[sflag:s22] =	ssyncset.done $0x0  }
0x39: {  	[sflag:s22] =	ssyncadd.s32 $0xFFFFF9C0  }
0x3a: {  	s14 =	stileid.u32;
	[bflag:$0x0] =	sbarrier.arrive $0xFFFF  }
0x3b: {  	s14 =	sshll.u32 s14, $0x6;
	s24 =	rddreg [dreg:$0xf]  }
0x3c: {  	s14 =	sor.u32 $0x1C07, s14;
	s25 =	rddreg [dreg:$0x19]  }
0x3d: {  	[hbm:s24], [sflag:s14] =	dma.local [spmem:s25], $0x2700  }
0x3e: {  	_ =	swait.ge [sflag:s7], $0x2700  }
0x3f: {  	[sflag:s7] =	ssyncset.done $0x0;
	s25 =	rddreg [dreg:$0x10]  }
0x40: {  	s26 =	rddreg [dreg:$0x1a];
	[sflag:s7] =	ssyncadd.s32 $0xFFFFD900  }
0x41: {  	[hbm:s25], [sflag:s14] =	dma.local [spmem:s26], $0x4E0  }
0x42: {  	_ =	swait.ge [sflag:s7], $0x4E0  }
0x43: {  	[sflag:s7] =	ssyncset.done $0x0;
	s24 =	rddreg [dreg:$0x16]  }
0x44: {  	s25 =	rddreg [dreg:$0x1b];
	[sflag:s7] =	ssyncadd.s32 $0xFFFFFB20  }
0x45: {  	[hbm:s24], [sflag:s14] =	dma.local @!p0 [spmem:s25], $0x100  }
0x46: {  	s24 =	simm.s32 @!p0 $0x7  }
0x47: {  	_ =	swait.ge @!p0 [sflag:s24], $0x100  }
0x48: {  	[sflag:s24] =	ssyncset.done @!p0 $0x0  }
0x49: {  	s25 =	rddreg [dreg:$0x17];
	[sflag:s24] =	ssyncadd.s32 @!p0 $0xFFFFFF00  }
0x4a: {  	[hbm:s25], [sflag:s14] =	dma.local @!p0 [spmem:s30], $0x20  }
0x4b: {  	_ =	swait.ge @!p0 [sflag:s24], $0x20  }
0x4c: {  	s23 =	sadd.s32 $0x1, s23;
	s28 =	rddreg [dreg:$0x18]  }
0x4d: {  	p1 =	sne.s32 s23, s28  }
.Ltmp1:
0x4e: {  	_ = 	snop;
	(pc) =	sbr.rel @!p1 .LBB2_14-.Ltmp1, $3  }
0x4f: {  	_ =	sdelay $0x1  }
0x50: {  	[sflag:s24] =	ssyncset.done @!p0 $0x0  }
0x51: {  	[sflag:s24] =	ssyncadd.s32 @!p0 $0xFFFFFFE0  }
.LBB2_1:
0x52: {  	s24 =	simm.s32 $0x0;
	s25 =	simm.s32 $0x0  }
.LBB2_2:
0x53: {  	p1 =	sne.s32 s25, $0xC7C0  }
.Ltmp2:
0x54: {  	_ = 	snop;
	(pc) =	sbr.rel @p1 .LBB2_2-.Ltmp2, $4  }
0x55: {  	s26 =	sand.u32 $0xFE00, s25  }
0x56: {  	s14 =	sand.u32 $0x70, s24;
	s26 =	sshrl.u32 s26, $0x2  }
0x57: {  	s14 =	sor.u32 s14, s26  }
0x58: {  	s24 =	sadd.s32 $0x10, s24;
	s25 =	sadd.s32 $0x40, s25;
	[tilespmem:s14+$0x28A0] =	vst v0  }
0x59: {  	s24 =	simm.s32 $0x40;
	s25 =	simm.s32 $0x0  }
.LBB2_4:
0x5a: {  	p1 =	sne.s32 s24, $0x18C0;
	[tilespmem:s25+$0x8CA0] =	vst v0;
	s14 =	smov.u32 s24;
	s24 =	sadd.s32 $0x40, s24  }
.Ltmp3:
0x5b: {  	(pc) =	sbr.rel @p1 .LBB2_4-.Ltmp3, $2  }
0x5c: {  	_ =	sdelay $0x2  }
0x5d: {  	s25 =	sshra.s32 s14, $0x2  }
0x5e: {  	[tilespmem:s25+$0x8CA0] =	vst v0;
	s14 =	rddreg [dreg:$0x6]  }
0x5f: {  	[spmem:s14] =	stream.linear.scatter [tilespmem:s6], [sflag:$0x7], $0x3200, $0x38;
	[tilespmem:$0x1F270] =	vst v63  }
0x60: {  	_ =	swait.ge [sflag:s7], $0x3200  }
0x61: {  	[sflag:s7] =	ssyncset.done $0x0  }
0x62: {  	s28 =	rddreg [dreg:$0x7];
	[sflag:s7] =	ssyncadd.s32 $0xFFFFCE00  }
0x63: {  	[spmem:s28] =	stream.linear.scatter [tilespmem:s8], [sflag:$0x7], $0x640, $0x38;
	[tilespmem:$0x1F270] =	vst v63  }
0x64: {  	_ =	swait.ge [sflag:s7], $0x640  }
0x65: {  	[sflag:s7] =	ssyncset.done $0x0  }
0x66: {  	s24 =	rddreg [dreg:$0x8];
	[sflag:s7] =	ssyncadd.s32 $0xFFFFF9C0  }
0x67: {  	[spmem:s24] =	stream.linear.scatter [tilespmem:s6], [sflag:$0x7], $0x3200, $0x38;
	[tilespmem:$0x1F270] =	vst v63  }
0x68: {  	_ =	swait.ge [sflag:s7], $0x3200  }
0x69: {  	[sflag:s7] =	ssyncset.done $0x0  }
0x6a: {  	s25 =	rddreg [dreg:$0x9];
	[sflag:s7] =	ssyncadd.s32 $0xFFFFCE00  }
0x6b: {  	[spmem:s25] =	stream.linear.scatter [tilespmem:s8], [sflag:$0x7], $0x640, $0x38;
	[tilespmem:$0x1F270] =	vst v63  }
0x6c: {  	_ =	swait.ge [sflag:s7], $0x640  }
0x6d: {  	[sflag:s7] =	ssyncset.done $0x0  }
0x6e: {  	s26 =	rddreg [dreg:$0xa];
	[sflag:s7] =	ssyncadd.s32 $0xFFFFF9C0  }
0x6f: {  	[spmem:s26] =	stream.linear.scatter [tilespmem:s6], [sflag:$0x7], $0x3200, $0x38;
	[tilespmem:$0x1F270] =	vst v63  }
0x70: {  	_ =	swait.ge [sflag:s7], $0x3200  }
0x71: {  	[sflag:s7] =	ssyncset.done $0x0  }
0x72: {  	s28 =	rddreg [dreg:$0xb];
	[sflag:s7] =	ssyncadd.s32 $0xFFFFCE00  }
0x73: {  	[spmem:s28] =	stream.linear.scatter [tilespmem:s8], [sflag:$0x7], $0x640, $0x38;
	[tilespmem:$0x1F270] =	vst v63  }
0x74: {  	_ =	swait.ge [sflag:s7], $0x640  }
0x75: {  	[sflag:s7] =	ssyncset.done $0x0  }
0x76: {  	s24 =	rddreg [dreg:$0xc];
	[sflag:s7] =	ssyncadd.s32 $0xFFFFF9C0  }
0x77: {  	[spmem:s24] =	stream.linear.scatter [tilespmem:s6], [sflag:$0x7], $0x3200, $0x38;
	[tilespmem:$0x1F270] =	vst v63  }
0x78: {  	_ =	swait.ge [sflag:s7], $0x3200  }
0x79: {  	[sflag:s7] =	ssyncset.done $0x0  }
0x7a: {  	s25 =	rddreg [dreg:$0xd];
	[sflag:s7] =	ssyncadd.s32 $0xFFFFCE00  }
0x7b: {  	[spmem:s25] =	stream.linear.scatter [tilespmem:s8], [sflag:$0x7], $0x640, $0x38;
	[tilespmem:$0x1F270] =	vst v63  }
0x7c: {  	_ =	swait.ge [sflag:s7], $0x640  }
0x7d: {  	[sflag:s7] =	ssyncset.done $0x0  }
0x7e: {  	s26 =	rddreg [dreg:$0xe];
	[sflag:s7] =	ssyncadd.s32 $0xFFFFF9C0  }
0x7f: {  	[spmem:s26] =	stream.linear.scatter [tilespmem:s6], [sflag:$0x7], $0x3200, $0x38;
	[tilespmem:$0x1F270] =	vst v63  }
0x80: {  	_ =	swait.ge [sflag:s7], $0x3200  }
0x81: {  	[sflag:s7] =	ssyncset.done $0x0  }
0x82: {  	s28 =	rddreg [dreg:$0x11];
	[sflag:s7] =	ssyncadd.s32 $0xFFFFCE00  }
0x83: {  	[spmem:s28] =	stream.linear.scatter [tilespmem:s8], [sflag:$0x7], $0x640, $0x38;
	[tilespmem:$0x1F270] =	vst v63  }
0x84: {  	_ =	swait.ge [sflag:s7], $0x640  }
0x85: {  	[sflag:s7] =	ssyncset.done $0x0  }
0x86: {  	s24 =	rddreg [dreg:$0x12];
	[sflag:s7] =	ssyncadd.s32 $0xFFFFF9C0  }
0x87: {  	[spmem:s24] =	stream.linear.scatter [tilespmem:s6], [sflag:$0x7], $0x3200, $0x38;
	[tilespmem:$0x1F270] =	vst v63  }
0x88: {  	_ =	swait.ge [sflag:s7], $0x3200  }
0x89: {  	[sflag:s7] =	ssyncset.done $0x0  }
0x8a: {  	s25 =	rddreg [dreg:$0x13];
	[sflag:s7] =	ssyncadd.s32 $0xFFFFCE00  }
0x8b: {  	[spmem:s25] =	stream.linear.scatter [tilespmem:s8], [sflag:$0x7], $0x640, $0x38;
	[tilespmem:$0x1F270] =	vst v63  }
0x8c: {  	_ =	swait.ge [sflag:s7], $0x640  }
0x8d: {  	[sflag:s7] =	ssyncset.done $0x0  }
0x8e: {  	s26 =	rddreg [dreg:$0x14];
	[sflag:s7] =	ssyncadd.s32 $0xFFFFF9C0  }
0x8f: {  	[spmem:s26] =	stream.linear.scatter [tilespmem:s6], [sflag:$0x7], $0xC80, $0x38;
	[tilespmem:$0x1F270] =	vst v63  }
0x90: {  	_ =	swait.ge [sflag:s7], $0xC80  }
0x91: {  	[sflag:s7] =	ssyncset.done $0x0  }
0x92: {  	s28 =	rddreg [dreg:$0x15];
	[sflag:s7] =	ssyncadd.s32 $0xFFFFF380  }
0x93: {  	[spmem:s28] =	stream.linear.scatter [tilespmem:s8], [sflag:$0x7], $0x190, $0x38;
	[tilespmem:$0x1F270] =	vst v63  }
0x94: {  	_ =	swait.ge [sflag:s7], $0x190  }
0x95: {  	[sflag:s7] =	ssyncset.done $0x0  }
0x96: {  	s24 =	simm.s32 $0x40;
	s25 =	simm.s32 $0x0;
	[sflag:s7] =	ssyncadd.s32 $0xFFFFFE70  }
.LBB2_6:
0x97: {  	p1 =	sne.s32 s24, $0x18C0;
	[tilespmem:s25+$0x8CA0] =	vst v1;
	s14 =	smov.u32 s24;
	s24 =	sadd.s32 $0x40, s24  }
.Ltmp4:
0x98: {  	(pc) =	sbr.rel @p1 .LBB2_6-.Ltmp4, $2  }
0x99: {  	_ =	sdelay $0x2  }
0x9a: {  	s25 =	sshra.s32 s14, $0x2  }
0x9b: {  	[tilespmem:s25+$0x8CA0] =	vst v1  }
0x9c: {  	[bflag:$0x0] =	sbarrier.arrive $0xFFFF  }
0x9d: {  	[tilespmem:s5], [sflag:$0x7] =	stream.linear.gather [hbm4b:s29+s5], $0x1450, $0x38;
	[tilespmem:$0x1F270] =	vst v63  }
0x9e: {  	_ =	swait.ge [sflag:s7], $0x1450  }
0x9f: {  	[sflag:s7] =	ssyncset.done $0x0  }
0xa0: {  	[sflag:s7] =	ssyncadd.s32 $0xFFFFEBB0  }
0xa1: {  	[tilespmem:s9], [sflag:$0x7] =	stream.linear.gather [hbm4b:s31+s5], $0x1450, $0x38;
	[tilespmem:$0x1F270] =	vst v63  }
0xa2: {  	_ =	swait.ge [sflag:s7], $0x1450  }
0xa3: {  	[sflag:s7] =	ssyncset.done $0x0  }
0xa4: {  	[sflag:s7] =	ssyncadd.s32 $0xFFFFEBB0  }
0xa5: {  	[tilespmem:s6], [sflag:$0x1] =	stream.indirect.gather [hbm4b:s1+s10], $0x80, s5, s10, $0xb8;
	[tilespmem:$0x1F270] =	vst v63  }
0xa6: {  	_ = 	snop  }
0xa7: {  	[tilespmem:s12], [sflag:$0x2] =	stream.indirect.gather [hbm4b:s1+s10], $0x80, s11, s10, $0xb8;
	[tilespmem:$0x1F270] =	vst v63  }
0xa8: {  	_ =	swait.ge [sflag:s13], $0x3200  }
0xa9: {  	[sflag:s13] =	ssyncset.done $0x0  }
0xaa: {  	[sflag:s13] =	ssyncadd.s32 $0xFFFFCE00  }
0xab: {  	[spmem:s2] =	stream.indirect.scatter.add.f32 [tilespmem:s6], [sflag:$0x3], $0x80, s9, s10, $0xb8;
	[tilespmem:$0x1F270] =	vst v63  }
0xac: {  	_ = 	snop  }
0xad: {  	[spmem:s3] =	stream.indirect.scatter.add.f32 [tilespmem:s8], [sflag:$0x5], $0x10, s9, s10, $0xb8;
	[tilespmem:$0x1F270] =	vst v63  }
0xae: {  	_ =	swait.ge [sflag:s15], $0x3200  }
0xaf: {  	[sflag:s15] =	ssyncset.done $0x0  }
0xb0: {  	[sflag:s15] =	ssyncadd.s32 $0xFFFFCE00  }
0xb1: {  	[tilespmem:s6], [sflag:$0x1] =	stream.indirect.gather [hbm4b:s1+s10], $0x80, s16, s10, $0xb8;
	[tilespmem:$0x1F270] =	vst v63  }
0xb2: {  	_ =	swait.ge [sflag:s17], $0x3200  }
0xb3: {  	[sflag:s17] =	ssyncset.done $0x0  }
0xb4: {  	[sflag:s17] =	ssyncadd.s32 $0xFFFFCE00  }
0xb5: {  	[spmem:s2] =	stream.indirect.scatter.add.f32 [tilespmem:s12], [sflag:$0x4], $0x80, s18, s10, $0xb8;
	[tilespmem:$0x1F270] =	vst v63  }
0xb6: {  	_ = 	snop  }
0xb7: {  	[spmem:s3] =	stream.indirect.scatter.add.f32 [tilespmem:s8], [sflag:$0x6], $0x10, s18, s10, $0xb8;
	[tilespmem:$0x1F270] =	vst v63  }
0xb8: {  	_ =	swait.ge [sflag:s19], $0x3200  }
0xb9: {  	[sflag:s19] =	ssyncset.done $0x0  }
0xba: {  	s24 =	simm.s32 $0xFFFFB540;
	[sflag:s19] =	ssyncadd.s32 $0xFFFFCE00  }
0xbb: {  	[tilespmem:s12], [sflag:$0x2] =	stream.indirect.gather [hbm4b:s1+s10], $0x80, s20, s10, $0xb8;
	[tilespmem:$0x1F270] =	vst v63  }
.LBB2_8:
0xbc: {  	_ =	swait.ge [sflag:s13], $0x3200  }
0xbd: {  	s25 =	sshra.s32 s24, $0x2;
	[sflag:s13] =	ssyncset.done $0x0  }
0xbe: {  	s14 =	sadd.s32 $0x27D0, s25;
	[sflag:s13] =	ssyncadd.s32 $0xFFFFCE00  }
0xbf: {  	[spmem:s2] =	stream.indirect.scatter.add.f32 [tilespmem:s6], [sflag:$0x3], $0x80, s14, s10, $0xb8;
	[tilespmem:$0x1F270] =	vst v63  }
0xc0: {  	_ = 	snop  }
0xc1: {  	[spmem:s3] =	stream.indirect.scatter.add.f32 [tilespmem:s8], [sflag:$0x5], $0x10, s14, s10, $0xb8;
	[tilespmem:$0x1F270] =	vst v63  }
0xc2: {  	_ =	swait.ge [sflag:s21], $0x640  }
0xc3: {  	p1 =	seq.s32 s24, $0x0;
	[sflag:s21] =	ssyncset.done $0x0  }
0xc4: {  	s14 =	simm.s32 @!p1 $0x3;
	[sflag:s21] =	ssyncadd.s32 $0xFFFFF9C0  }
0xc5: {  	_ =	swait.ge @!p1 [sflag:s14], $0x3200  }
0xc6: {  	[sflag:s14] =	ssyncset.done @!p1 $0x0  }
0xc7: {  	[sflag:s14] =	ssyncadd.s32 @!p1 $0xFFFFCE00;
	s14 =	sshra.s32 @!p1 s24, $0x2  }
0xc8: {  	s26 =	simm.s32 @!p1 $0x64;
	s28 =	simm.s32 @!p1 $0x28A0;
	s14 =	sadd.s32 @!p1 $0x1450, s14  }
0xc9: {  	[tilespmem:s28], [sflag:$0x1] =	stream.indirect.gather @!p1 [hbm4b:s1+s26], $0x80, s14, s26, $0xb8;
	[tilespmem:$0x1F270] =	vst v63  }
0xca: {  	_ =	swait.ge [sflag:s17], $0x3200  }
0xcb: {  	[sflag:s17] =	ssyncset.done $0x0  }
0xcc: {  	s28 =	sadd.s32 $0x2838, s25;
	[sflag:s17] =	ssyncadd.s32 $0xFFFFCE00  }
0xcd: {  	[spmem:s2] =	stream.indirect.scatter.add.f32 [tilespmem:s12], [sflag:$0x4], $0x80, s28, s10, $0xb8;
	[tilespmem:$0x1F270] =	vst v63  }
.Ltmp5:
0xce: {  	_ = 	snop;
	(pc) =	sbr.rel @p1 .LBB2_10-.Ltmp5, $4  }
0xcf: {  	[spmem:s3] =	stream.indirect.scatter.add.f32 [tilespmem:s8], [sflag:$0x6], $0x10, s28, s10, $0xb8;
	[tilespmem:$0x1F270] =	vst v63  }
0xd0: {  	_ =	swait.ge [sflag:s22], $0x640  }
0xd1: {  	[sflag:s22] =	ssyncset.done $0x0  }
0xd2: {  	[sflag:s22] =	ssyncadd.s32 $0xFFFFF9C0  }
.Ltmp6:
0xd3: {  	(pc) =	sbr.rel .LBB2_8-.Ltmp6, $4  }
0xd4: {  	_ =	swait.ge [sflag:s19], $0x3200  }
0xd5: {  	[sflag:s19] =	ssyncset.done $0x0  }
0xd6: {  	s14 =	sadd.s32 $0x14B8, s25;
	s24 =	sadd.s32 $0x340, s24;
	[sflag:s19] =	ssyncadd.s32 $0xFFFFCE00  }
0xd7: {  	[tilespmem:s12], [sflag:$0x2] =	stream.indirect.gather [hbm4b:s1+s10], $0x80, s14, s10, $0xb8;
	[tilespmem:$0x1F270] =	vst v63  }
.LBB2_10:
0xd8: {  	_ =	swait.ge [sflag:s15], $0x3200  }
0xd9: {  	[sflag:s15] =	ssyncset.done $0x0  }
0xda: {  	[sflag:s15] =	ssyncadd.s32 $0xFFFFCE00  }
0xdb: {  	_ =	swait.ge [sflag:s21], $0x640  }
0xdc: {  	[sflag:s21] =	ssyncset.done $0x0  }
0xdd: {  	[sflag:s21] =	ssyncadd.s32 $0xFFFFF9C0  }
0xde: {  	_ =	swait.ge [sflag:s19], $0x3200  }
0xdf: {  	[sflag:s19] =	ssyncset.done $0x0  }
0xe0: {  	[sflag:s19] =	ssyncadd.s32 $0xFFFFCE00  }
0xe1: {  	_ =	swait.ge [sflag:s22], $0x640  }
0xe2: {  	[sflag:s22] =	ssyncset.done $0x0  }
0xe3: {  	[sflag:s22] =	ssyncadd.s32 $0xFFFFF9C0  }
0xe4: {  	[tilespmem:s5], [sflag:$0x7] =	stream.linear.gather [hbm4b:s0+s5], $0x1450, $0x38;
	[tilespmem:$0x1F270] =	vst v63  }
0xe5: {  	_ =	swait.ge [sflag:s7], $0x1450  }
0xe6: {  	[sflag:s7] =	ssyncset.done $0x0  }
0xe7: {  	[sflag:s7] =	ssyncadd.s32 $0xFFFFEBB0  }
0xe8: {  	[tilespmem:s9], [sflag:$0x7] =	stream.linear.gather [hbm4b:s4+s5], $0x1450, $0x38;
	[tilespmem:$0x1F270] =	vst v63  }
0xe9: {  	_ =	swait.ge [sflag:s7], $0x1450  }
0xea: {  	[sflag:s7] =	ssyncset.done $0x0  }
0xeb: {  	[sflag:s7] =	ssyncadd.s32 $0xFFFFEBB0  }
0xec: {  	[tilespmem:s6], [sflag:$0x1] =	stream.indirect.gather [hbm4b:s1+s10], $0x80, s5, s10, $0xb8;
	[tilespmem:$0x1F270] =	vst v63  }
0xed: {  	_ = 	snop  }
0xee: {  	[tilespmem:s12], [sflag:$0x2] =	stream.indirect.gather [hbm4b:s1+s10], $0x80, s11, s10, $0xb8;
	[tilespmem:$0x1F270] =	vst v63  }
0xef: {  	_ =	swait.ge [sflag:s13], $0x3200  }
0xf0: {  	[sflag:s13] =	ssyncset.done $0x0  }
0xf1: {  	[sflag:s13] =	ssyncadd.s32 $0xFFFFCE00  }
0xf2: {  	[spmem:s2] =	stream.indirect.scatter.add.f32 [tilespmem:s6], [sflag:$0x3], $0x80, s9, s10, $0xb8;
	[tilespmem:$0x1F270] =	vst v63  }
0xf3: {  	_ = 	snop  }
0xf4: {  	[spmem:s3] =	stream.indirect.scatter.add.f32 [tilespmem:s8], [sflag:$0x5], $0x10, s9, s10, $0xb8;
	[tilespmem:$0x1F270] =	vst v63  }
0xf5: {  	_ =	swait.ge [sflag:s15], $0x3200  }
0xf6: {  	[sflag:s15] =	ssyncset.done $0x0  }
0xf7: {  	[sflag:s15] =	ssyncadd.s32 $0xFFFFCE00  }
0xf8: {  	[tilespmem:s6], [sflag:$0x1] =	stream.indirect.gather [hbm4b:s1+s10], $0x80, s16, s10, $0xb8;
	[tilespmem:$0x1F270] =	vst v63  }
0xf9: {  	_ =	swait.ge [sflag:s17], $0x3200  }
0xfa: {  	[sflag:s17] =	ssyncset.done $0x0  }
0xfb: {  	[sflag:s17] =	ssyncadd.s32 $0xFFFFCE00  }
0xfc: {  	[spmem:s2] =	stream.indirect.scatter.add.f32 [tilespmem:s12], [sflag:$0x4], $0x80, s18, s10, $0xb8;
	[tilespmem:$0x1F270] =	vst v63  }
0xfd: {  	_ = 	snop  }
0xfe: {  	[spmem:s3] =	stream.indirect.scatter.add.f32 [tilespmem:s8], [sflag:$0x6], $0x10, s18, s10, $0xb8;
	[tilespmem:$0x1F270] =	vst v63  }
0xff: {  	_ =	swait.ge [sflag:s19], $0x3200  }
0x100: {  	[sflag:s19] =	ssyncset.done $0x0  }
0x101: {  	s24 =	simm.s32 $0xFFFFB540;
	[sflag:s19] =	ssyncadd.s32 $0xFFFFCE00  }
0x102: {  	[tilespmem:s12], [sflag:$0x2] =	stream.indirect.gather [hbm4b:s1+s10], $0x80, s20, s10, $0xb8;
	[tilespmem:$0x1F270] =	vst v63  }
.LBB2_11:
0x103: {  	_ =	swait.ge [sflag:s13], $0x3200  }
0x104: {  	s25 =	sshra.s32 s24, $0x2;
	[sflag:s13] =	ssyncset.done $0x0  }
0x105: {  	s14 =	sadd.s32 $0x27D0, s25;
	[sflag:s13] =	ssyncadd.s32 $0xFFFFCE00  }
0x106: {  	[spmem:s2] =	stream.indirect.scatter.add.f32 [tilespmem:s6], [sflag:$0x3], $0x80, s14, s10, $0xb8;
	[tilespmem:$0x1F270] =	vst v63  }
0x107: {  	_ = 	snop  }
0x108: {  	[spmem:s3] =	stream.indirect.scatter.add.f32 [tilespmem:s8], [sflag:$0x5], $0x10, s14, s10, $0xb8;
	[tilespmem:$0x1F270] =	vst v63  }
0x109: {  	_ =	swait.ge [sflag:s21], $0x640  }
0x10a: {  	p1 =	seq.s32 s24, $0x0;
	[sflag:s21] =	ssyncset.done $0x0  }
0x10b: {  	s14 =	simm.s32 @!p1 $0x3;
	[sflag:s21] =	ssyncadd.s32 $0xFFFFF9C0  }
0x10c: {  	_ =	swait.ge @!p1 [sflag:s14], $0x3200  }
0x10d: {  	[sflag:s14] =	ssyncset.done @!p1 $0x0  }
0x10e: {  	[sflag:s14] =	ssyncadd.s32 @!p1 $0xFFFFCE00;
	s14 =	sshra.s32 @!p1 s24, $0x2  }
0x10f: {  	s26 =	simm.s32 @!p1 $0x64;
	s28 =	simm.s32 @!p1 $0x28A0;
	s14 =	sadd.s32 @!p1 $0x1450, s14  }
0x110: {  	[tilespmem:s28], [sflag:$0x1] =	stream.indirect.gather @!p1 [hbm4b:s1+s26], $0x80, s14, s26, $0xb8;
	[tilespmem:$0x1F270] =	vst v63  }
0x111: {  	_ =	swait.ge [sflag:s17], $0x3200  }
0x112: {  	[sflag:s17] =	ssyncset.done $0x0  }
0x113: {  	s28 =	sadd.s32 $0x2838, s25;
	[sflag:s17] =	ssyncadd.s32 $0xFFFFCE00  }
0x114: {  	[spmem:s2] =	stream.indirect.scatter.add.f32 [tilespmem:s12], [sflag:$0x4], $0x80, s28, s10, $0xb8;
	[tilespmem:$0x1F270] =	vst v63  }
.Ltmp7:
0x115: {  	_ = 	snop;
	(pc) =	sbr.rel @p1 .LBB2_13-.Ltmp7, $4  }
0x116: {  	[spmem:s3] =	stream.indirect.scatter.add.f32 [tilespmem:s8], [sflag:$0x6], $0x10, s28, s10, $0xb8;
	[tilespmem:$0x1F270] =	vst v63  }
0x117: {  	_ =	swait.ge [sflag:s22], $0x640  }
0x118: {  	[sflag:s22] =	ssyncset.done $0x0  }
0x119: {  	[sflag:s22] =	ssyncadd.s32 $0xFFFFF9C0  }
.Ltmp8:
0x11a: {  	(pc) =	sbr.rel .LBB2_11-.Ltmp8, $4  }
0x11b: {  	_ =	swait.ge [sflag:s19], $0x3200  }
0x11c: {  	[sflag:s19] =	ssyncset.done $0x0  }
0x11d: {  	s14 =	sadd.s32 $0x14B8, s25;
	s24 =	sadd.s32 $0x340, s24;
	[sflag:s19] =	ssyncadd.s32 $0xFFFFCE00  }
0x11e: {  	[tilespmem:s12], [sflag:$0x2] =	stream.indirect.gather [hbm4b:s1+s10], $0x80, s14, s10, $0xb8;
	[tilespmem:$0x1F270] =	vst v63  }
.LBB2_14:
0x11f: {  	_ =	sfence.sel $0x180000  }
0x120: {  	[bflag:$0x0] =	sbarrier.arrive $0xFFFF  }
0x121: {  	_ =	strace $0x90000047  }
0x122: {  	s0 =	stileid.u32;
	[bflag:$0x2] =	sbarrier.arrive $0xFFFF  }
0x123: {  	p0 =	sne.s32 s0, $0x0;
	s0 =	rddreg [dreg:$0x5]  }
0x124: {  	s0 =	sadd.s32 @!p0 $0x100000, s0  }
0x125: {  	[sflag:s0] =	ssyncadd.tile.s32 @!p0 $0x1;
	_ =	shalt  }
.Lfunc_end2:
_tile_overlayer_lowered:
.L_overlay_start_2:
0x126: {  	(tag) =	ssettag $0x2  }
0x127: {  	s0 =	rddreg [dreg:$0x0];
	s2 =	stileid.u32  }
0x128: {  	s1 =	rddreg [dreg:$0x1];
	p0 =	sne.s32 s2, $0x0  }
0x129: {  	s3 =	rddreg [dreg:$0x2];
	[bflag:$0x3] =	sbarrier.arrive $0xFFFF;
	s2 =	simm.s32 @!p0 $0x1C07  }
0x12a: {  	[timem:s3], [sflag:s2] =	dma.local @!p0 [hbm:s0], s1  }
0x12b: {  	s0 =	simm.s32 @!p0 $0x7  }
0x12c: {  	_ =	swait.ge @!p0 [sflag:s0], s1  }
0x12d: {  	s1 =	ssub.s32 @!p0 $0x0, s1;
	[sflag:s0] =	ssyncset.done @!p0 $0x0  }
0x12e: {  	[sflag:s0] =	ssyncadd.s32 @!p0 s1  }
0x12f: {  	[bflag:$0x3] =	sbarrier.arrive $0xFFFF  }
0x130: {  	_ =	shalt  }

</sc_bundles>
